<compile_context>
chip_gen: v7x
topology: tpu7x:2x2x1
jax: 0.10.2.dev20260603
libtpu: 0.0.44.dev20260713+nightly
codegen_flags: <defaults>
</compile_context>

<pallas_src>
import functools

import jax
import jax.numpy as jnp
from jax import lax
from jax.experimental import pallas as pl
from jax.experimental.pallas import tpu as pltpu, tpu_sc as plsc

_INFO = plsc.get_sparse_core_info()
_NC, _NS = _INFO.num_cores, _INFO.num_subcores
_NW = _NC * _NS
_CH = 8192
_NST = 8
_NBUF = 4
_NG = 4


def _gather_body(n_per_w, vocab, ids_hbm, table_hbm, out_hbm,
                 idx_v, rows_v, b0, b1, table_sh, sem, sem_idx,
                 hsems, ssems, gsems):
    bufs = (rows_v.at[pl.ds(0, _CH)], rows_v.at[pl.ds(_CH, _CH)], b0, b1)
    sid = lax.axis_index("s")
    wid = sid * _NC + lax.axis_index("c")
    base = wid * n_per_w
    pltpu.async_copy(ids_hbm.at[pl.ds(base, n_per_w)], idx_v, sem_idx)

    t_span = -(-vocab // (8 * _NS)) * 8
    last_sz = ((t_span - (_NST - 1) * _CH) + 7) & ~7

    def sz(j):
        return _CH if j < _NST - 1 else last_sz

    def off(j):
        return jnp.minimum(sid * t_span + j * _CH, vocab - sz(j))

    def buf(j):
        b = bufs[j % _NBUF]
        return b if sz(j) == _CH else b.at[pl.ds(0, sz(j))]

    def hbm_cp(j):
        return pltpu.make_async_copy(
            table_hbm.at[pl.ds(off(j), sz(j))], buf(j), hsems.at[j % _NBUF])

    def sp_cp(j):
        return pltpu.make_async_copy(
            buf(j), table_sh.at[pl.ds(off(j), sz(j))], ssems.at[j % _NBUF])

    hbm_cp(0).start()
    hbm_cp(1).start()
    for j in range(_NST):
        hbm_cp(j).wait()
        sp_cp(j).start()
        if j + 2 < _NST:
            if j >= 2:
                sp_cp(j - 2).wait()
            hbm_cp(j + 2).start()
    for j in range(max(0, _NST - _NBUF), _NST):
        sp_cp(j).wait()
    plsc.subcore_barrier()

    pltpu.make_async_copy(ids_hbm.at[pl.ds(base, n_per_w)], idx_v, sem_idx).wait()
    n_sub = n_per_w // _NG
    gathers = []
    for g in range(_NG):
        gathers.append(pltpu.async_copy(
            table_sh.at[idx_v.at[pl.ds(g * n_sub, n_sub)]],
            rows_v.at[pl.ds(g * n_sub, n_sub)], gsems.at[g]))
    writes = []
    for g in range(_NG):
        gathers[g].wait()
        writes.append(pltpu.async_copy(
            rows_v.at[pl.ds(g * n_sub, n_sub)],
            out_hbm.at[pl.ds(base + g * n_sub, n_sub)], sem))
    for w in writes:
        w.wait()


@functools.partial(jax.jit, static_argnames=("n_tokens", "vocab"))
def _gather_sc(token_ids, token_weights, n_tokens, vocab):
    n_per_w = n_tokens // _NW
    assert _NS * _NST * _CH >= vocab
    mesh = plsc.VectorSubcoreMesh(core_axis_name="c", subcore_axis_name="s")
    k = pl.kernel(
        _gather_body_bound(n_per_w, vocab),
        mesh=mesh,
        out_type=jax.ShapeDtypeStruct((n_tokens,), jnp.float32),
        scratch_types=[
            pltpu.VMEM((n_per_w,), jnp.int32),
            pltpu.VMEM((n_per_w,), jnp.float32),
            pltpu.VMEM((_CH,), jnp.float32),
            pltpu.VMEM((_CH,), jnp.float32),
            pltpu.VMEM_SHARED((vocab,), jnp.float32),
            pltpu.SemaphoreType.DMA,
            pltpu.SemaphoreType.DMA,
            pltpu.SemaphoreType.DMA((_NBUF,)),
            pltpu.SemaphoreType.DMA((_NBUF,)),
            pltpu.SemaphoreType.DMA((_NG,)),
        ],
    )
    return k(token_ids, token_weights)


def _gather_body_bound(n_per_w, vocab):
    return functools.partial(_gather_body, n_per_w, vocab)


def kernel(token_ids, token_weights):
    n_tokens = token_ids.shape[0]
    vocab = token_weights.shape[0]
    return _gather_sc(token_ids.astype(jnp.int32), token_weights, n_tokens, vocab)

# --- scband reference (transcript-rebuilt; emitter-appended) ---
"""Pipeline reference for scband-log-freq-query-weighter-35639638622826 (READ-ONLY COPY).

The authoritative reference and input builder live on the scoring server;
editing this copy changes nothing except your own understanding.
"""

import jax, jax.numpy as jnp
import numpy as np

VOCAB = 1000000
N_TOKENS = 819200

def setup_inputs(seed: int = 0) -> dict:
    key = jax.random.key(seed)
    k1, = jax.random.split(key, 1)
    token_ids = jax.random.randint(k1, (N_TOKENS,), 0, VOCAB, dtype=jnp.int64 if jax.config.jax_enable_x64 else jnp.int32)
    token_weights = jnp.ones((VOCAB,), dtype=jnp.float32) * 1.0
    return {"token_ids": token_ids, "token_weights": token_weights}

def reference(token_ids, token_weights):
    # Faithful translation of LogFreqQueryWeighter.forward with is_query=True:
    #   valid_mask = (ids >= 0) & (ids < vocab)
    #   weights = ones_like(ids); weights[valid_mask] = token_weights[ids[valid_mask]]
    vocab = token_weights.shape[0]
    valid_mask = (token_ids >= 0) & (token_ids < vocab)
    safe_ids = jnp.clip(token_ids, 0, vocab - 1)
    gathered = jnp.take(token_weights, safe_ids, axis=0)
    weights = jnp.where(valid_mask, gathered, jnp.ones_like(gathered))
    return weights

if __name__ == "__main__":
    import jax
    _d = setup_inputs()
    print(jax.jit(kernel)(*tuple(_d.values())))

</pallas_src>

<mosaic_0001>
#map = affine_map<(d0, d1) -> (0)>
module attributes {stable_mosaic.version = 14 : i64} {
  func.func @_gather_body(%arg0: i32, %arg1: i32, %arg2: memref<819200xi32, #tpu.memory_space<hbm>>, %arg3: memref<1000000xf32, #tpu.memory_space<hbm>>, %arg4: memref<819200xf32, #tpu.memory_space<hbm>>, %arg5: memref<25600xi32, #tpu.memory_space<vmem>>, %arg6: memref<25600xf32, #tpu.memory_space<vmem>>, %arg7: memref<8192xf32, #tpu.memory_space<vmem>>, %arg8: memref<8192xf32, #tpu.memory_space<vmem>>, %arg9: memref<1000000xf32, #tpu.memory_space<vmem_shared>>, %arg10: memref<!tpu.dma_semaphore, #tpu.memory_space<semaphore_mem>>, %arg11: memref<!tpu.dma_semaphore, #tpu.memory_space<semaphore_mem>>, %arg12: memref<4x!tpu.dma_semaphore, #tpu.memory_space<semaphore_mem>>, %arg13: memref<4x!tpu.dma_semaphore, #tpu.memory_space<semaphore_mem>>, %arg14: memref<4x!tpu.dma_semaphore, #tpu.memory_space<semaphore_mem>>) attributes {dimension_semantics = [#tpu.dimension_semantics<core_parallel>, #tpu.dimension_semantics<subcore_parallel>], iteration_bounds = array<i64: 2, 16>, scalar_prefetch = 0 : i64, scratch_operands = 10 : i64, tpu.core_type = #tpu.core_type<sc_vector_subcore>, window_params = [{transform_indices = #map}, {transform_indices = #map}, {transform_indices = #map}]} {
    %mul3A = arith.constant 2 : i32
    %mul3A_0 = arith.muli %arg1, %mul3A : i32
    %add3A = arith.addi %mul3A_0, %arg0 : i32
    %mul3A_1 = arith.constant 25600 : i32
    %mul3A_2 = arith.muli %add3A, %mul3A_1 : i32
    %dma_start3A = tpu.memref_slice %arg2[%mul3A_2] : memref<819200xi32, #tpu.memory_space<hbm>> -> memref<25600xi32, #tpu.memory_space<hbm>>
    %dma_start3A_3 = tpu.memref_slice %arg2[%mul3A_2] : memref<819200xi32, #tpu.memory_space<hbm>> -> memref<25600xi32, #tpu.memory_space<hbm>>
    tpu.enqueue_dma source(%dma_start3A_3 : memref<25600xi32, #tpu.memory_space<hbm>>) target(%arg5 : memref<25600xi32, #tpu.memory_space<vmem>>) target_semaphore(%arg11 : memref<!tpu.dma_semaphore, #tpu.memory_space<semaphore_mem>>)
    %mul3A_4 = arith.constant 62504 : i32
    %mul3A_5 = arith.muli %arg1, %mul3A_4 : i32
    %add3A_6 = arith.constant 0 : i32
    %add3A_7 = arith.addi %mul3A_5, %add3A_6 : i32
    %min3A = arith.constant 991808 : i32
    %min3A_8 = arith.minsi %add3A_7, %min3A : i32
    %dma_start3A_9 = arith.constant 0 : i32
    %dma_start3A_10 = arith.constant 0 : i32
    %dma_start3A_11 = tpu.memref_slice %arg6[%dma_start3A_10] : memref<25600xf32, #tpu.memory_space<vmem>> -> memref<8192xf32, #tpu.memory_space<vmem>>
    %dma_start3A_12 = tpu.memref_slice %arg3[%min3A_8] : memref<1000000xf32, #tpu.memory_space<hbm>> -> memref<8192xf32, #tpu.memory_space<hbm>>
    %dma_start3A_13 = tpu.memref_slice %arg12[%dma_start3A_9] : memref<4x!tpu.dma_semaphore, #tpu.memory_space<semaphore_mem>> -> memref<1x!tpu.dma_semaphore, #tpu.memory_space<semaphore_mem>>
    %dma_start3A_14 = tpu.memref_squeeze %dma_start3A_13 : memref<1x!tpu.dma_semaphore, #tpu.memory_space<semaphore_mem>> -> memref<!tpu.dma_semaphore, #tpu.memory_space<semaphore_mem>>
    %dma_start3A_15 = arith.constant 0 : i32
    %dma_start3A_16 = tpu.memref_slice %arg6[%dma_start3A_15] : memref<25600xf32, #tpu.memory_space<vmem>> -> memref<8192xf32, #tpu.memory_space<vmem>>
    %dma_start3A_17 = tpu.memref_slice %arg3[%min3A_8] : memref<1000000xf32, #tpu.memory_space<hbm>> -> memref<8192xf32, #tpu.memory_space<hbm>>
    tpu.enqueue_dma source(%dma_start3A_17 : memref<8192xf32, #tpu.memory_space<hbm>>) target(%dma_start3A_16 : memref<8192xf32, #tpu.memory_space<vmem>>) target_semaphore(%dma_start3A_14 : memref<!tpu.dma_semaphore, #tpu.memory_space<semaphore_mem>>)
    %mul3A_18 = arith.constant 62504 : i32
    %mul3A_19 = arith.muli %arg1, %mul3A_18 : i32
    %add3A_20 = arith.constant 8192 : i32
    %add3A_21 = arith.addi %mul3A_19, %add3A_20 : i32
    %min3A_22 = arith.constant 991808 : i32
    %min3A_23 = arith.minsi %add3A_21, %min3A_22 : i32
    %dma_start3A_24 = arith.constant 1 : i32
    %dma_start3A_25 = arith.constant 8192 : i32
    %dma_start3A_26 = tpu.memref_slice %arg6[%dma_start3A_25] : memref<25600xf32, #tpu.memory_space<vmem>> -> memref<8192xf32, #tpu.memory_space<vmem>>
    %dma_start3A_27 = tpu.memref_slice %arg3[%min3A_23] : memref<1000000xf32, #tpu.memory_space<hbm>> -> memref<8192xf32, #tpu.memory_space<hbm>>
    %dma_start3A_28 = tpu.memref_slice %arg12[%dma_start3A_24] : memref<4x!tpu.dma_semaphore, #tpu.memory_space<semaphore_mem>> -> memref<1x!tpu.dma_semaphore, #tpu.memory_space<semaphore_mem>>
    %dma_start3A_29 = tpu.memref_squeeze %dma_start3A_28 : memref<1x!tpu.dma_semaphore, #tpu.memory_space<semaphore_mem>> -> memref<!tpu.dma_semaphore, #tpu.memory_space<semaphore_mem>>
    %dma_start3A_30 = arith.constant 8192 : i32
    %dma_start3A_31 = tpu.memref_slice %arg6[%dma_start3A_30] : memref<25600xf32, #tpu.memory_space<vmem>> -> memref<8192xf32, #tpu.memory_space<vmem>>
    %dma_start3A_32 = tpu.memref_slice %arg3[%min3A_23] : memref<1000000xf32, #tpu.memory_space<hbm>> -> memref<8192xf32, #tpu.memory_space<hbm>>
    tpu.enqueue_dma source(%dma_start3A_32 : memref<8192xf32, #tpu.memory_space<hbm>>) target(%dma_start3A_31 : memref<8192xf32, #tpu.memory_space<vmem>>) target_semaphore(%dma_start3A_29 : memref<!tpu.dma_semaphore, #tpu.memory_space<semaphore_mem>>)
    %mul3A_33 = arith.constant 62504 : i32
    %mul3A_34 = arith.muli %arg1, %mul3A_33 : i32
    %add3A_35 = arith.constant 0 : i32
    %add3A_36 = arith.addi %mul3A_34, %add3A_35 : i32
    %min3A_37 = arith.constant 991808 : i32
    %min3A_38 = arith.minsi %add3A_36, %min3A_37 : i32
    %dma_wait3A = arith.constant 0 : i32
    %dma_wait3A_39 = arith.constant 0 : i32
    %dma_wait3A_40 = tpu.memref_slice %arg6[%dma_wait3A_39] : memref<25600xf32, #tpu.memory_space<vmem>> -> memref<8192xf32, #tpu.memory_space<vmem>>
    %dma_wait3A_41 = tpu.memref_slice %arg3[%min3A_38] : memref<1000000xf32, #tpu.memory_space<hbm>> -> memref<8192xf32, #tpu.memory_space<hbm>>
    %dma_wait3A_42 = tpu.memref_slice %arg12[%dma_wait3A] : memref<4x!tpu.dma_semaphore, #tpu.memory_space<semaphore_mem>> -> memref<1x!tpu.dma_semaphore, #tpu.memory_space<semaphore_mem>>
    %dma_wait3A_43 = tpu.memref_squeeze %dma_wait3A_42 : memref<1x!tpu.dma_semaphore, #tpu.memory_space<semaphore_mem>> -> memref<!tpu.dma_semaphore, #tpu.memory_space<semaphore_mem>>
    %dma_wait3A_44 = arith.constant 0 : i32
    %dma_wait3A_45 = tpu.memref_slice %arg6[%dma_wait3A_44] : memref<25600xf32, #tpu.memory_space<vmem>> -> memref<8192xf32, #tpu.memory_space<vmem>>
    %dma_wait3A_46 = tpu.memref_slice %arg3[%min3A_38] : memref<1000000xf32, #tpu.memory_space<hbm>> -> memref<8192xf32, #tpu.memory_space<hbm>>
    tpu.wait_dma2 semaphore(%dma_wait3A_43 : memref<!tpu.dma_semaphore, #tpu.memory_space<semaphore_mem>>) src(%dma_wait3A_46 : memref<8192xf32, #tpu.memory_space<hbm>>) dst(%dma_wait3A_45 : memref<8192xf32, #tpu.memory_space<vmem>>)
    %mul3A_47 = arith.constant 62504 : i32
    %mul3A_48 = arith.muli %arg1, %mul3A_47 : i32
    %add3A_49 = arith.constant 0 : i32
    %add3A_50 = arith.addi %mul3A_48, %add3A_49 : i32
    %min3A_51 = arith.constant 991808 : i32
    %min3A_52 = arith.minsi %add3A_50, %min3A_51 : i32
    %dma_start3A_53 = arith.constant 0 : i32
    %dma_start3A_54 = arith.constant 0 : i32
    %dma_start3A_55 = tpu.memref_slice %arg6[%dma_start3A_54] : memref<25600xf32, #tpu.memory_space<vmem>> -> memref<8192xf32, #tpu.memory_space<vmem>>
    %dma_start3A_56 = tpu.memref_slice %arg9[%min3A_52] : memref<1000000xf32, #tpu.memory_space<vmem_shared>> -> memref<8192xf32, #tpu.memory_space<vmem_shared>>
    %dma_start3A_57 = tpu.memref_slice %arg13[%dma_start3A_53] : memref<4x!tpu.dma_semaphore, #tpu.memory_space<semaphore_mem>> -> memref<1x!tpu.dma_semaphore, #tpu.memory_space<semaphore_mem>>
    %dma_start3A_58 = tpu.memref_squeeze %dma_start3A_57 : memref<1x!tpu.dma_semaphore, #tpu.memory_space<semaphore_mem>> -> memref<!tpu.dma_semaphore, #tpu.memory_space<semaphore_mem>>
    %dma_start3A_59 = tpu.memref_slice %arg9[%min3A_52] : memref<1000000xf32, #tpu.memory_space<vmem_shared>> -> memref<8192xf32, #tpu.memory_space<vmem_shared>>
    %dma_start3A_60 = arith.constant 0 : i32
    %dma_start3A_61 = tpu.memref_slice %arg6[%dma_start3A_60] : memref<25600xf32, #tpu.memory_space<vmem>> -> memref<8192xf32, #tpu.memory_space<vmem>>
    tpu.enqueue_dma source(%dma_start3A_61 : memref<8192xf32, #tpu.memory_space<vmem>>) target(%dma_start3A_59 : memref<8192xf32, #tpu.memory_space<vmem_shared>>) target_semaphore(%dma_start3A_58 : memref<!tpu.dma_semaphore, #tpu.memory_space<semaphore_mem>>)
    %mul3A_62 = arith.constant 62504 : i32
    %mul3A_63 = arith.muli %arg1, %mul3A_62 : i32
    %add3A_64 = arith.constant 16384 : i32
    %add3A_65 = arith.addi %mul3A_63, %add3A_64 : i32
    %min3A_66 = arith.constant 991808 : i32
    %min3A_67 = arith.minsi %add3A_65, %min3A_66 : i32
    %dma_start3A_68 = arith.constant 2 : i32
    %dma_start3A_69 = tpu.memref_slice %arg3[%min3A_67] : memref<1000000xf32, #tpu.memory_space<hbm>> -> memref<8192xf32, #tpu.memory_space<hbm>>
    %dma_start3A_70 = tpu.memref_slice %arg12[%dma_start3A_68] : memref<4x!tpu.dma_semaphore, #tpu.memory_space<semaphore_mem>> -> memref<1x!tpu.dma_semaphore, #tpu.memory_space<semaphore_mem>>
    %dma_start3A_71 = tpu.memref_squeeze %dma_start3A_70 : memref<1x!tpu.dma_semaphore, #tpu.memory_space<semaphore_mem>> -> memref<!tpu.dma_semaphore, #tpu.memory_space<semaphore_mem>>
    %dma_start3A_72 = tpu.memref_slice %arg3[%min3A_67] : memref<1000000xf32, #tpu.memory_space<hbm>> -> memref<8192xf32, #tpu.memory_space<hbm>>
    tpu.enqueue_dma source(%dma_start3A_72 : memref<8192xf32, #tpu.memory_space<hbm>>) target(%arg7 : memref<8192xf32, #tpu.memory_space<vmem>>) target_semaphore(%dma_start3A_71 : memref<!tpu.dma_semaphore, #tpu.memory_space<semaphore_mem>>)
    %mul3A_73 = arith.constant 62504 : i32
    %mul3A_74 = arith.muli %arg1, %mul3A_73 : i32
    %add3A_75 = arith.constant 8192 : i32
    %add3A_76 = arith.addi %mul3A_74, %add3A_75 : i32
    %min3A_77 = arith.constant 991808 : i32
    %min3A_78 = arith.minsi %add3A_76, %min3A_77 : i32
    %dma_wait3A_79 = arith.constant 1 : i32
    %dma_wait3A_80 = arith.constant 8192 : i32
    %dma_wait3A_81 = tpu.memref_slice %arg6[%dma_wait3A_80] : memref<25600xf32, #tpu.memory_space<vmem>> -> memref<8192xf32, #tpu.memory_space<vmem>>
    %dma_wait3A_82 = tpu.memref_slice %arg3[%min3A_78] : memref<1000000xf32, #tpu.memory_space<hbm>> -> memref<8192xf32, #tpu.memory_space<hbm>>
    %dma_wait3A_83 = tpu.memref_slice %arg12[%dma_wait3A_79] : memref<4x!tpu.dma_semaphore, #tpu.memory_space<semaphore_mem>> -> memref<1x!tpu.dma_semaphore, #tpu.memory_space<semaphore_mem>>
    %dma_wait3A_84 = tpu.memref_squeeze %dma_wait3A_83 : memref<1x!tpu.dma_semaphore, #tpu.memory_space<semaphore_mem>> -> memref<!tpu.dma_semaphore, #tpu.memory_space<semaphore_mem>>
    %dma_wait3A_85 = arith.constant 8192 : i32
    %dma_wait3A_86 = tpu.memref_slice %arg6[%dma_wait3A_85] : memref<25600xf32, #tpu.memory_space<vmem>> -> memref<8192xf32, #tpu.memory_space<vmem>>
    %dma_wait3A_87 = tpu.memref_slice %arg3[%min3A_78] : memref<1000000xf32, #tpu.memory_space<hbm>> -> memref<8192xf32, #tpu.memory_space<hbm>>
    tpu.wait_dma2 semaphore(%dma_wait3A_84 : memref<!tpu.dma_semaphore, #tpu.memory_space<semaphore_mem>>) src(%dma_wait3A_87 : memref<8192xf32, #tpu.memory_space<hbm>>) dst(%dma_wait3A_86 : memref<8192xf32, #tpu.memory_space<vmem>>)
    %mul3A_88 = arith.constant 62504 : i32
    %mul3A_89 = arith.muli %arg1, %mul3A_88 : i32
    %add3A_90 = arith.constant 8192 : i32
    %add3A_91 = arith.addi %mul3A_89, %add3A_90 : i32
    %min3A_92 = arith.constant 991808 : i32
    %min3A_93 = arith.minsi %add3A_91, %min3A_92 : i32
    %dma_start3A_94 = arith.constant 1 : i32
    %dma_start3A_95 = arith.constant 8192 : i32
    %dma_start3A_96 = tpu.memref_slice %arg6[%dma_start3A_95] : memref<25600xf32, #tpu.memory_space<vmem>> -> memref<8192xf32, #tpu.memory_space<vmem>>
    %dma_start3A_97 = tpu.memref_slice %arg9[%min3A_93] : memref<1000000xf32, #tpu.memory_space<vmem_shared>> -> memref<8192xf32, #tpu.memory_space<vmem_shared>>
    %dma_start3A_98 = tpu.memref_slice %arg13[%dma_start3A_94] : memref<4x!tpu.dma_semaphore, #tpu.memory_space<semaphore_mem>> -> memref<1x!tpu.dma_semaphore, #tpu.memory_space<semaphore_mem>>
    %dma_start3A_99 = tpu.memref_squeeze %dma_start3A_98 : memref<1x!tpu.dma_semaphore, #tpu.memory_space<semaphore_mem>> -> memref<!tpu.dma_semaphore, #tpu.memory_space<semaphore_mem>>
    %dma_start3A_100 = tpu.memref_slice %arg9[%min3A_93] : memref<1000000xf32, #tpu.memory_space<vmem_shared>> -> memref<8192xf32, #tpu.memory_space<vmem_shared>>
    %dma_start3A_101 = arith.constant 8192 : i32
    %dma_start3A_102 = tpu.memref_slice %arg6[%dma_start3A_101] : memref<25600xf32, #tpu.memory_space<vmem>> -> memref<8192xf32, #tpu.memory_space<vmem>>
    tpu.enqueue_dma source(%dma_start3A_102 : memref<8192xf32, #tpu.memory_space<vmem>>) target(%dma_start3A_100 : memref<8192xf32, #tpu.memory_space<vmem_shared>>) target_semaphore(%dma_start3A_99 : memref<!tpu.dma_semaphore, #tpu.memory_space<semaphore_mem>>)
    %mul3A_103 = arith.constant 62504 : i32
    %mul3A_104 = arith.muli %arg1, %mul3A_103 : i32
    %add3A_105 = arith.constant 24576 : i32
    %add3A_106 = arith.addi %mul3A_104, %add3A_105 : i32
    %min3A_107 = arith.constant 991808 : i32
    %min3A_108 = arith.minsi %add3A_106, %min3A_107 : i32
    %dma_start3A_109 = arith.constant 3 : i32
    %dma_start3A_110 = tpu.memref_slice %arg3[%min3A_108] : memref<1000000xf32, #tpu.memory_space<hbm>> -> memref<8192xf32, #tpu.memory_space<hbm>>
    %dma_start3A_111 = tpu.memref_slice %arg12[%dma_start3A_109] : memref<4x!tpu.dma_semaphore, #tpu.memory_space<semaphore_mem>> -> memref<1x!tpu.dma_semaphore, #tpu.memory_space<semaphore_mem>>
    %dma_start3A_112 = tpu.memref_squeeze %dma_start3A_111 : memref<1x!tpu.dma_semaphore, #tpu.memory_space<semaphore_mem>> -> memref<!tpu.dma_semaphore, #tpu.memory_space<semaphore_mem>>
    %dma_start3A_113 = tpu.memref_slice %arg3[%min3A_108] : memref<1000000xf32, #tpu.memory_space<hbm>> -> memref<8192xf32, #tpu.memory_space<hbm>>
    tpu.enqueue_dma source(%dma_start3A_113 : memref<8192xf32, #tpu.memory_space<hbm>>) target(%arg8 : memref<8192xf32, #tpu.memory_space<vmem>>) target_semaphore(%dma_start3A_112 : memref<!tpu.dma_semaphore, #tpu.memory_space<semaphore_mem>>)
    %mul3A_114 = arith.constant 62504 : i32
    %mul3A_115 = arith.muli %arg1, %mul3A_114 : i32
    %add3A_116 = arith.constant 16384 : i32
    %add3A_117 = arith.addi %mul3A_115, %add3A_116 : i32
    %min3A_118 = arith.constant 991808 : i32
    %min3A_119 = arith.minsi %add3A_117, %min3A_118 : i32
    %dma_wait3A_120 = arith.constant 2 : i32
    %dma_wait3A_121 = tpu.memref_slice %arg3[%min3A_119] : memref<1000000xf32, #tpu.memory_space<hbm>> -> memref<8192xf32, #tpu.memory_space<hbm>>
    %dma_wait3A_122 = tpu.memref_slice %arg12[%dma_wait3A_120] : memref<4x!tpu.dma_semaphore, #tpu.memory_space<semaphore_mem>> -> memref<1x!tpu.dma_semaphore, #tpu.memory_space<semaphore_mem>>
    %dma_wait3A_123 = tpu.memref_squeeze %dma_wait3A_122 : memref<1x!tpu.dma_semaphore, #tpu.memory_space<semaphore_mem>> -> memref<!tpu.dma_semaphore, #tpu.memory_space<semaphore_mem>>
    %dma_wait3A_124 = tpu.memref_slice %arg3[%min3A_119] : memref<1000000xf32, #tpu.memory_space<hbm>> -> memref<8192xf32, #tpu.memory_space<hbm>>
    tpu.wait_dma2 semaphore(%dma_wait3A_123 : memref<!tpu.dma_semaphore, #tpu.memory_space<semaphore_mem>>) src(%dma_wait3A_124 : memref<8192xf32, #tpu.memory_space<hbm>>) dst(%arg7 : memref<8192xf32, #tpu.memory_space<vmem>>)
    %mul3A_125 = arith.constant 62504 : i32
    %mul3A_126 = arith.muli %arg1, %mul3A_125 : i32
    %add3A_127 = arith.constant 16384 : i32
    %add3A_128 = arith.addi %mul3A_126, %add3A_127 : i32
    %min3A_129 = arith.constant 991808 : i32
    %min3A_130 = arith.minsi %add3A_128, %min3A_129 : i32
    %dma_start3A_131 = arith.constant 2 : i32
    %dma_start3A_132 = tpu.memref_slice %arg9[%min3A_130] : memref<1000000xf32, #tpu.memory_space<vmem_shared>> -> memref<8192xf32, #tpu.memory_space<vmem_shared>>
    %dma_start3A_133 = tpu.memref_slice %arg13[%dma_start3A_131] : memref<4x!tpu.dma_semaphore, #tpu.memory_space<semaphore_mem>> -> memref<1x!tpu.dma_semaphore, #tpu.memory_space<semaphore_mem>>
    %dma_start3A_134 = tpu.memref_squeeze %dma_start3A_133 : memref<1x!tpu.dma_semaphore, #tpu.memory_space<semaphore_mem>> -> memref<!tpu.dma_semaphore, #tpu.memory_space<semaphore_mem>>
    %dma_start3A_135 = tpu.memref_slice %arg9[%min3A_130] : memref<1000000xf32, #tpu.memory_space<vmem_shared>> -> memref<8192xf32, #tpu.memory_space<vmem_shared>>
    tpu.enqueue_dma source(%arg7 : memref<8192xf32, #tpu.memory_space<vmem>>) target(%dma_start3A_135 : memref<8192xf32, #tpu.memory_space<vmem_shared>>) target_semaphore(%dma_start3A_134 : memref<!tpu.dma_semaphore, #tpu.memory_space<semaphore_mem>>)
    %mul3A_136 = arith.constant 62504 : i32
    %mul3A_137 = arith.muli %arg1, %mul3A_136 : i32
    %add3A_138 = arith.constant 0 : i32
    %add3A_139 = arith.addi %mul3A_137, %add3A_138 : i32
    %min3A_140 = arith.constant 991808 : i32
    %min3A_141 = arith.minsi %add3A_139, %min3A_140 : i32
    %dma_wait3A_142 = arith.constant 0 : i32
    %dma_wait3A_143 = arith.constant 0 : i32
    %dma_wait3A_144 = tpu.memref_slice %arg6[%dma_wait3A_143] : memref<25600xf32, #tpu.memory_space<vmem>> -> memref<8192xf32, #tpu.memory_space<vmem>>
    %dma_wait3A_145 = tpu.memref_slice %arg9[%min3A_141] : memref<1000000xf32, #tpu.memory_space<vmem_shared>> -> memref<8192xf32, #tpu.memory_space<vmem_shared>>
    %dma_wait3A_146 = tpu.memref_slice %arg13[%dma_wait3A_142] : memref<4x!tpu.dma_semaphore, #tpu.memory_space<semaphore_mem>> -> memref<1x!tpu.dma_semaphore, #tpu.memory_space<semaphore_mem>>
    %dma_wait3A_147 = tpu.memref_squeeze %dma_wait3A_146 : memref<1x!tpu.dma_semaphore, #tpu.memory_space<semaphore_mem>> -> memref<!tpu.dma_semaphore, #tpu.memory_space<semaphore_mem>>
    %dma_wait3A_148 = tpu.memref_slice %arg9[%min3A_141] : memref<1000000xf32, #tpu.memory_space<vmem_shared>> -> memref<8192xf32, #tpu.memory_space<vmem_shared>>
    %dma_wait3A_149 = arith.constant 0 : i32
    %dma_wait3A_150 = tpu.memref_slice %arg6[%dma_wait3A_149] : memref<25600xf32, #tpu.memory_space<vmem>> -> memref<8192xf32, #tpu.memory_space<vmem>>
    tpu.wait_dma2 semaphore(%dma_wait3A_147 : memref<!tpu.dma_semaphore, #tpu.memory_space<semaphore_mem>>) src(%dma_wait3A_150 : memref<8192xf32, #tpu.memory_space<vmem>>) dst(%dma_wait3A_148 : memref<8192xf32, #tpu.memory_space<vmem_shared>>)
    %mul3A_151 = arith.constant 62504 : i32
    %mul3A_152 = arith.muli %arg1, %mul3A_151 : i32
    %add3A_153 = arith.constant 32768 : i32
    %add3A_154 = arith.addi %mul3A_152, %add3A_153 : i32
    %min3A_155 = arith.constant 991808 : i32
    %min3A_156 = arith.minsi %add3A_154, %min3A_155 : i32
    %dma_start3A_157 = arith.constant 0 : i32
    %dma_start3A_158 = arith.constant 0 : i32
    %dma_start3A_159 = tpu.memref_slice %arg6[%dma_start3A_158] : memref<25600xf32, #tpu.memory_space<vmem>> -> memref<8192xf32, #tpu.memory_space<vmem>>
    %dma_start3A_160 = tpu.memref_slice %arg3[%min3A_156] : memref<1000000xf32, #tpu.memory_space<hbm>> -> memref<8192xf32, #tpu.memory_space<hbm>>
    %dma_start3A_161 = tpu.memref_slice %arg12[%dma_start3A_157] : memref<4x!tpu.dma_semaphore, #tpu.memory_space<semaphore_mem>> -> memref<1x!tpu.dma_semaphore, #tpu.memory_space<semaphore_mem>>
    %dma_start3A_162 = tpu.memref_squeeze %dma_start3A_161 : memref<1x!tpu.dma_semaphore, #tpu.memory_space<semaphore_mem>> -> memref<!tpu.dma_semaphore, #tpu.memory_space<semaphore_mem>>
    %dma_start3A_163 = arith.constant 0 : i32
    %dma_start3A_164 = tpu.memref_slice %arg6[%dma_start3A_163] : memref<25600xf32, #tpu.memory_space<vmem>> -> memref<8192xf32, #tpu.memory_space<vmem>>
    %dma_start3A_165 = tpu.memref_slice %arg3[%min3A_156] : memref<1000000xf32, #tpu.memory_space<hbm>> -> memref<8192xf32, #tpu.memory_space<hbm>>
    tpu.enqueue_dma source(%dma_start3A_165 : memref<8192xf32, #tpu.memory_space<hbm>>) target(%dma_start3A_164 : memref<8192xf32, #tpu.memory_space<vmem>>) target_semaphore(%dma_start3A_162 : memref<!tpu.dma_semaphore, #tpu.memory_space<semaphore_mem>>)
    %mul3A_166 = arith.constant 62504 : i32
    %mul3A_167 = arith.muli %arg1, %mul3A_166 : i32
    %add3A_168 = arith.constant 24576 : i32
    %add3A_169 = arith.addi %mul3A_167, %add3A_168 : i32
    %min3A_170 = arith.constant 991808 : i32
    %min3A_171 = arith.minsi %add3A_169, %min3A_170 : i32
    %dma_wait3A_172 = arith.constant 3 : i32
    %dma_wait3A_173 = tpu.memref_slice %arg3[%min3A_171] : memref<1000000xf32, #tpu.memory_space<hbm>> -> memref<8192xf32, #tpu.memory_space<hbm>>
    %dma_wait3A_174 = tpu.memref_slice %arg12[%dma_wait3A_172] : memref<4x!tpu.dma_semaphore, #tpu.memory_space<semaphore_mem>> -> memref<1x!tpu.dma_semaphore, #tpu.memory_space<semaphore_mem>>
    %dma_wait3A_175 = tpu.memref_squeeze %dma_wait3A_174 : memref<1x!tpu.dma_semaphore, #tpu.memory_space<semaphore_mem>> -> memref<!tpu.dma_semaphore, #tpu.memory_space<semaphore_mem>>
    %dma_wait3A_176 = tpu.memref_slice %arg3[%min3A_171] : memref<1000000xf32, #tpu.memory_space<hbm>> -> memref<8192xf32, #tpu.memory_space<hbm>>
    tpu.wait_dma2 semaphore(%dma_wait3A_175 : memref<!tpu.dma_semaphore, #tpu.memory_space<semaphore_mem>>) src(%dma_wait3A_176 : memref<8192xf32, #tpu.memory_space<hbm>>) dst(%arg8 : memref<8192xf32, #tpu.memory_space<vmem>>)
    %mul3A_177 = arith.constant 62504 : i32
    %mul3A_178 = arith.muli %arg1, %mul3A_177 : i32
    %add3A_179 = arith.constant 24576 : i32
    %add3A_180 = arith.addi %mul3A_178, %add3A_179 : i32
    %min3A_181 = arith.constant 991808 : i32
    %min3A_182 = arith.minsi %add3A_180, %min3A_181 : i32
    %dma_start3A_183 = arith.constant 3 : i32
    %dma_start3A_184 = tpu.memref_slice %arg9[%min3A_182] : memref<1000000xf32, #tpu.memory_space<vmem_shared>> -> memref<8192xf32, #tpu.memory_space<vmem_shared>>
    %dma_start3A_185 = tpu.memref_slice %arg13[%dma_start3A_183] : memref<4x!tpu.dma_semaphore, #tpu.memory_space<semaphore_mem>> -> memref<1x!tpu.dma_semaphore, #tpu.memory_space<semaphore_mem>>
    %dma_start3A_186 = tpu.memref_squeeze %dma_start3A_185 : memref<1x!tpu.dma_semaphore, #tpu.memory_space<semaphore_mem>> -> memref<!tpu.dma_semaphore, #tpu.memory_space<semaphore_mem>>
    %dma_start3A_187 = tpu.memref_slice %arg9[%min3A_182] : memref<1000000xf32, #tpu.memory_space<vmem_shared>> -> memref<8192xf32, #tpu.memory_space<vmem_shared>>
    tpu.enqueue_dma source(%arg8 : memref<8192xf32, #tpu.memory_space<vmem>>) target(%dma_start3A_187 : memref<8192xf32, #tpu.memory_space<vmem_shared>>) target_semaphore(%dma_start3A_186 : memref<!tpu.dma_semaphore, #tpu.memory_space<semaphore_mem>>)
    %mul3A_188 = arith.constant 62504 : i32
    %mul3A_189 = arith.muli %arg1, %mul3A_188 : i32
    %add3A_190 = arith.constant 8192 : i32
    %add3A_191 = arith.addi %mul3A_189, %add3A_190 : i32
    %min3A_192 = arith.constant 991808 : i32
    %min3A_193 = arith.minsi %add3A_191, %min3A_192 : i32
    %dma_wait3A_194 = arith.constant 1 : i32
    %dma_wait3A_195 = arith.constant 8192 : i32
    %dma_wait3A_196 = tpu.memref_slice %arg6[%dma_wait3A_195] : memref<25600xf32, #tpu.memory_space<vmem>> -> memref<8192xf32, #tpu.memory_space<vmem>>
    %dma_wait3A_197 = tpu.memref_slice %arg9[%min3A_193] : memref<1000000xf32, #tpu.memory_space<vmem_shared>> -> memref<8192xf32, #tpu.memory_space<vmem_shared>>
    %dma_wait3A_198 = tpu.memref_slice %arg13[%dma_wait3A_194] : memref<4x!tpu.dma_semaphore, #tpu.memory_space<semaphore_mem>> -> memref<1x!tpu.dma_semaphore, #tpu.memory_space<semaphore_mem>>
    %dma_wait3A_199 = tpu.memref_squeeze %dma_wait3A_198 : memref<1x!tpu.dma_semaphore, #tpu.memory_space<semaphore_mem>> -> memref<!tpu.dma_semaphore, #tpu.memory_space<semaphore_mem>>
    %dma_wait3A_200 = tpu.memref_slice %arg9[%min3A_193] : memref<1000000xf32, #tpu.memory_space<vmem_shared>> -> memref<8192xf32, #tpu.memory_space<vmem_shared>>
    %dma_wait3A_201 = arith.constant 8192 : i32
    %dma_wait3A_202 = tpu.memref_slice %arg6[%dma_wait3A_201] : memref<25600xf32, #tpu.memory_space<vmem>> -> memref<8192xf32, #tpu.memory_space<vmem>>
    tpu.wait_dma2 semaphore(%dma_wait3A_199 : memref<!tpu.dma_semaphore, #tpu.memory_space<semaphore_mem>>) src(%dma_wait3A_202 : memref<8192xf32, #tpu.memory_space<vmem>>) dst(%dma_wait3A_200 : memref<8192xf32, #tpu.memory_space<vmem_shared>>)
    %mul3A_203 = arith.constant 62504 : i32
    %mul3A_204 = arith.muli %arg1, %mul3A_203 : i32
    %add3A_205 = arith.constant 40960 : i32
    %add3A_206 = arith.addi %mul3A_204, %add3A_205 : i32
    %min3A_207 = arith.constant 991808 : i32
    %min3A_208 = arith.minsi %add3A_206, %min3A_207 : i32
    %dma_start3A_209 = arith.constant 1 : i32
    %dma_start3A_210 = arith.constant 8192 : i32
    %dma_start3A_211 = tpu.memref_slice %arg6[%dma_start3A_210] : memref<25600xf32, #tpu.memory_space<vmem>> -> memref<8192xf32, #tpu.memory_space<vmem>>
    %dma_start3A_212 = tpu.memref_slice %arg3[%min3A_208] : memref<1000000xf32, #tpu.memory_space<hbm>> -> memref<8192xf32, #tpu.memory_space<hbm>>
    %dma_start3A_213 = tpu.memref_slice %arg12[%dma_start3A_209] : memref<4x!tpu.dma_semaphore, #tpu.memory_space<semaphore_mem>> -> memref<1x!tpu.dma_semaphore, #tpu.memory_space<semaphore_mem>>
    %dma_start3A_214 = tpu.memref_squeeze %dma_start3A_213 : memref<1x!tpu.dma_semaphore, #tpu.memory_space<semaphore_mem>> -> memref<!tpu.dma_semaphore, #tpu.memory_space<semaphore_mem>>
    %dma_start3A_215 = arith.constant 8192 : i32
    %dma_start3A_216 = tpu.memref_slice %arg6[%dma_start3A_215] : memref<25600xf32, #tpu.memory_space<vmem>> -> memref<8192xf32, #tpu.memory_space<vmem>>
    %dma_start3A_217 = tpu.memref_slice %arg3[%min3A_208] : memref<1000000xf32, #tpu.memory_space<hbm>> -> memref<8192xf32, #tpu.memory_space<hbm>>
    tpu.enqueue_dma source(%dma_start3A_217 : memref<8192xf32, #tpu.memory_space<hbm>>) target(%dma_start3A_216 : memref<8192xf32, #tpu.memory_space<vmem>>) target_semaphore(%dma_start3A_214 : memref<!tpu.dma_semaphore, #tpu.memory_space<semaphore_mem>>)
    %mul3A_218 = arith.constant 62504 : i32
    %mul3A_219 = arith.muli %arg1, %mul3A_218 : i32
    %add3A_220 = arith.constant 32768 : i32
    %add3A_221 = arith.addi %mul3A_219, %add3A_220 : i32
    %min3A_222 = arith.constant 991808 : i32
    %min3A_223 = arith.minsi %add3A_221, %min3A_222 : i32
    %dma_wait3A_224 = arith.constant 0 : i32
    %dma_wait3A_225 = arith.constant 0 : i32
    %dma_wait3A_226 = tpu.memref_slice %arg6[%dma_wait3A_225] : memref<25600xf32, #tpu.memory_space<vmem>> -> memref<8192xf32, #tpu.memory_space<vmem>>
    %dma_wait3A_227 = tpu.memref_slice %arg3[%min3A_223] : memref<1000000xf32, #tpu.memory_space<hbm>> -> memref<8192xf32, #tpu.memory_space<hbm>>
    %dma_wait3A_228 = tpu.memref_slice %arg12[%dma_wait3A_224] : memref<4x!tpu.dma_semaphore, #tpu.memory_space<semaphore_mem>> -> memref<1x!tpu.dma_semaphore, #tpu.memory_space<semaphore_mem>>
    %dma_wait3A_229 = tpu.memref_squeeze %dma_wait3A_228 : memref<1x!tpu.dma_semaphore, #tpu.memory_space<semaphore_mem>> -> memref<!tpu.dma_semaphore, #tpu.memory_space<semaphore_mem>>
    %dma_wait3A_230 = arith.constant 0 : i32
    %dma_wait3A_231 = tpu.memref_slice %arg6[%dma_wait3A_230] : memref<25600xf32, #tpu.memory_space<vmem>> -> memref<8192xf32, #tpu.memory_space<vmem>>
    %dma_wait3A_232 = tpu.memref_slice %arg3[%min3A_223] : memref<1000000xf32, #tpu.memory_space<hbm>> -> memref<8192xf32, #tpu.memory_space<hbm>>
    tpu.wait_dma2 semaphore(%dma_wait3A_229 : memref<!tpu.dma_semaphore, #tpu.memory_space<semaphore_mem>>) src(%dma_wait3A_232 : memref<8192xf32, #tpu.memory_space<hbm>>) dst(%dma_wait3A_231 : memref<8192xf32, #tpu.memory_space<vmem>>)
    %mul3A_233 = arith.constant 62504 : i32
    %mul3A_234 = arith.muli %arg1, %mul3A_233 : i32
    %add3A_235 = arith.constant 32768 : i32
    %add3A_236 = arith.addi %mul3A_234, %add3A_235 : i32
    %min3A_237 = arith.constant 991808 : i32
    %min3A_238 = arith.minsi %add3A_236, %min3A_237 : i32
    %dma_start3A_239 = arith.constant 0 : i32
    %dma_start3A_240 = arith.constant 0 : i32
    %dma_start3A_241 = tpu.memref_slice %arg6[%dma_start3A_240] : memref<25600xf32, #tpu.memory_space<vmem>> -> memref<8192xf32, #tpu.memory_space<vmem>>
    %dma_start3A_242 = tpu.memref_slice %arg9[%min3A_238] : memref<1000000xf32, #tpu.memory_space<vmem_shared>> -> memref<8192xf32, #tpu.memory_space<vmem_shared>>
    %dma_start3A_243 = tpu.memref_slice %arg13[%dma_start3A_239] : memref<4x!tpu.dma_semaphore, #tpu.memory_space<semaphore_mem>> -> memref<1x!tpu.dma_semaphore, #tpu.memory_space<semaphore_mem>>
    %dma_start3A_244 = tpu.memref_squeeze %dma_start3A_243 : memref<1x!tpu.dma_semaphore, #tpu.memory_space<semaphore_mem>> -> memref<!tpu.dma_semaphore, #tpu.memory_space<semaphore_mem>>
    %dma_start3A_245 = tpu.memref_slice %arg9[%min3A_238] : memref<1000000xf32, #tpu.memory_space<vmem_shared>> -> memref<8192xf32, #tpu.memory_space<vmem_shared>>
    %dma_start3A_246 = arith.constant 0 : i32
    %dma_start3A_247 = tpu.memref_slice %arg6[%dma_start3A_246] : memref<25600xf32, #tpu.memory_space<vmem>> -> memref<8192xf32, #tpu.memory_space<vmem>>
    tpu.enqueue_dma source(%dma_start3A_247 : memref<8192xf32, #tpu.memory_space<vmem>>) target(%dma_start3A_245 : memref<8192xf32, #tpu.memory_space<vmem_shared>>) target_semaphore(%dma_start3A_244 : memref<!tpu.dma_semaphore, #tpu.memory_space<semaphore_mem>>)
    %mul3A_248 = arith.constant 62504 : i32
    %mul3A_249 = arith.muli %arg1, %mul3A_248 : i32
    %add3A_250 = arith.constant 16384 : i32
    %add3A_251 = arith.addi %mul3A_249, %add3A_250 : i32
    %min3A_252 = arith.constant 991808 : i32
    %min3A_253 = arith.minsi %add3A_251, %min3A_252 : i32
    %dma_wait3A_254 = arith.constant 2 : i32
    %dma_wait3A_255 = tpu.memref_slice %arg9[%min3A_253] : memref<1000000xf32, #tpu.memory_space<vmem_shared>> -> memref<8192xf32, #tpu.memory_space<vmem_shared>>
    %dma_wait3A_256 = tpu.memref_slice %arg13[%dma_wait3A_254] : memref<4x!tpu.dma_semaphore, #tpu.memory_space<semaphore_mem>> -> memref<1x!tpu.dma_semaphore, #tpu.memory_space<semaphore_mem>>
    %dma_wait3A_257 = tpu.memref_squeeze %dma_wait3A_256 : memref<1x!tpu.dma_semaphore, #tpu.memory_space<semaphore_mem>> -> memref<!tpu.dma_semaphore, #tpu.memory_space<semaphore_mem>>
    %dma_wait3A_258 = tpu.memref_slice %arg9[%min3A_253] : memref<1000000xf32, #tpu.memory_space<vmem_shared>> -> memref<8192xf32, #tpu.memory_space<vmem_shared>>
    tpu.wait_dma2 semaphore(%dma_wait3A_257 : memref<!tpu.dma_semaphore, #tpu.memory_space<semaphore_mem>>) src(%arg7 : memref<8192xf32, #tpu.memory_space<vmem>>) dst(%dma_wait3A_258 : memref<8192xf32, #tpu.memory_space<vmem_shared>>)
    %mul3A_259 = arith.constant 62504 : i32
    %mul3A_260 = arith.muli %arg1, %mul3A_259 : i32
    %add3A_261 = arith.constant 49152 : i32
    %add3A_262 = arith.addi %mul3A_260, %add3A_261 : i32
    %min3A_263 = arith.constant 991808 : i32
    %min3A_264 = arith.minsi %add3A_262, %min3A_263 : i32
    %dma_start3A_265 = arith.constant 2 : i32
    %dma_start3A_266 = tpu.memref_slice %arg3[%min3A_264] : memref<1000000xf32, #tpu.memory_space<hbm>> -> memref<8192xf32, #tpu.memory_space<hbm>>
    %dma_start3A_267 = tpu.memref_slice %arg12[%dma_start3A_265] : memref<4x!tpu.dma_semaphore, #tpu.memory_space<semaphore_mem>> -> memref<1x!tpu.dma_semaphore, #tpu.memory_space<semaphore_mem>>
    %dma_start3A_268 = tpu.memref_squeeze %dma_start3A_267 : memref<1x!tpu.dma_semaphore, #tpu.memory_space<semaphore_mem>> -> memref<!tpu.dma_semaphore, #tpu.memory_space<semaphore_mem>>
    %dma_start3A_269 = tpu.memref_slice %arg3[%min3A_264] : memref<1000000xf32, #tpu.memory_space<hbm>> -> memref<8192xf32, #tpu.memory_space<hbm>>
    tpu.enqueue_dma source(%dma_start3A_269 : memref<8192xf32, #tpu.memory_space<hbm>>) target(%arg7 : memref<8192xf32, #tpu.memory_space<vmem>>) target_semaphore(%dma_start3A_268 : memref<!tpu.dma_semaphore, #tpu.memory_space<semaphore_mem>>)
    %mul3A_270 = arith.constant 62504 : i32
    %mul3A_271 = arith.muli %arg1, %mul3A_270 : i32
    %add3A_272 = arith.constant 40960 : i32
    %add3A_273 = arith.addi %mul3A_271, %add3A_272 : i32
    %min3A_274 = arith.constant 991808 : i32
    %min3A_275 = arith.minsi %add3A_273, %min3A_274 : i32
    %dma_wait3A_276 = arith.constant 1 : i32
    %dma_wait3A_277 = arith.constant 8192 : i32
    %dma_wait3A_278 = tpu.memref_slice %arg6[%dma_wait3A_277] : memref<25600xf32, #tpu.memory_space<vmem>> -> memref<8192xf32, #tpu.memory_space<vmem>>
    %dma_wait3A_279 = tpu.memref_slice %arg3[%min3A_275] : memref<1000000xf32, #tpu.memory_space<hbm>> -> memref<8192xf32, #tpu.memory_space<hbm>>
    %dma_wait3A_280 = tpu.memref_slice %arg12[%dma_wait3A_276] : memref<4x!tpu.dma_semaphore, #tpu.memory_space<semaphore_mem>> -> memref<1x!tpu.dma_semaphore, #tpu.memory_space<semaphore_mem>>
    %dma_wait3A_281 = tpu.memref_squeeze %dma_wait3A_280 : memref<1x!tpu.dma_semaphore, #tpu.memory_space<semaphore_mem>> -> memref<!tpu.dma_semaphore, #tpu.memory_space<semaphore_mem>>
    %dma_wait3A_282 = arith.constant 8192 : i32
    %dma_wait3A_283 = tpu.memref_slice %arg6[%dma_wait3A_282] : memref<25600xf32, #tpu.memory_space<vmem>> -> memref<8192xf32, #tpu.memory_space<vmem>>
    %dma_wait3A_284 = tpu.memref_slice %arg3[%min3A_275] : memref<1000000xf32, #tpu.memory_space<hbm>> -> memref<8192xf32, #tpu.memory_space<hbm>>
    tpu.wait_dma2 semaphore(%dma_wait3A_281 : memref<!tpu.dma_semaphore, #tpu.memory_space<semaphore_mem>>) src(%dma_wait3A_284 : memref<8192xf32, #tpu.memory_space<hbm>>) dst(%dma_wait3A_283 : memref<8192xf32, #tpu.memory_space<vmem>>)
    %mul3A_285 = arith.constant 62504 : i32
    %mul3A_286 = arith.muli %arg1, %mul3A_285 : i32
    %add3A_287 = arith.constant 40960 : i32
    %add3A_288 = arith.addi %mul3A_286, %add3A_287 : i32
    %min3A_289 = arith.constant 991808 : i32
    %min3A_290 = arith.minsi %add3A_288, %min3A_289 : i32
    %dma_start3A_291 = arith.constant 1 : i32
    %dma_start3A_292 = arith.constant 8192 : i32
    %dma_start3A_293 = tpu.memref_slice %arg6[%dma_start3A_292] : memref<25600xf32, #tpu.memory_space<vmem>> -> memref<8192xf32, #tpu.memory_space<vmem>>
    %dma_start3A_294 = tpu.memref_slice %arg9[%min3A_290] : memref<1000000xf32, #tpu.memory_space<vmem_shared>> -> memref<8192xf32, #tpu.memory_space<vmem_shared>>
    %dma_start3A_295 = tpu.memref_slice %arg13[%dma_start3A_291] : memref<4x!tpu.dma_semaphore, #tpu.memory_space<semaphore_mem>> -> memref<1x!tpu.dma_semaphore, #tpu.memory_space<semaphore_mem>>
    %dma_start3A_296 = tpu.memref_squeeze %dma_start3A_295 : memref<1x!tpu.dma_semaphore, #tpu.memory_space<semaphore_mem>> -> memref<!tpu.dma_semaphore, #tpu.memory_space<semaphore_mem>>
    %dma_start3A_297 = tpu.memref_slice %arg9[%min3A_290] : memref<1000000xf32, #tpu.memory_space<vmem_shared>> -> memref<8192xf32, #tpu.memory_space<vmem_shared>>
    %dma_start3A_298 = arith.constant 8192 : i32
    %dma_start3A_299 = tpu.memref_slice %arg6[%dma_start3A_298] : memref<25600xf32, #tpu.memory_space<vmem>> -> memref<8192xf32, #tpu.memory_space<vmem>>
    tpu.enqueue_dma source(%dma_start3A_299 : memref<8192xf32, #tpu.memory_space<vmem>>) target(%dma_start3A_297 : memref<8192xf32, #tpu.memory_space<vmem_shared>>) target_semaphore(%dma_start3A_296 : memref<!tpu.dma_semaphore, #tpu.memory_space<semaphore_mem>>)
    %mul3A_300 = arith.constant 62504 : i32
    %mul3A_301 = arith.muli %arg1, %mul3A_300 : i32
    %add3A_302 = arith.constant 24576 : i32
    %add3A_303 = arith.addi %mul3A_301, %add3A_302 : i32
    %min3A_304 = arith.constant 991808 : i32
    %min3A_305 = arith.minsi %add3A_303, %min3A_304 : i32
    %dma_wait3A_306 = arith.constant 3 : i32
    %dma_wait3A_307 = tpu.memref_slice %arg9[%min3A_305] : memref<1000000xf32, #tpu.memory_space<vmem_shared>> -> memref<8192xf32, #tpu.memory_space<vmem_shared>>
    %dma_wait3A_308 = tpu.memref_slice %arg13[%dma_wait3A_306] : memref<4x!tpu.dma_semaphore, #tpu.memory_space<semaphore_mem>> -> memref<1x!tpu.dma_semaphore, #tpu.memory_space<semaphore_mem>>
    %dma_wait3A_309 = tpu.memref_squeeze %dma_wait3A_308 : memref<1x!tpu.dma_semaphore, #tpu.memory_space<semaphore_mem>> -> memref<!tpu.dma_semaphore, #tpu.memory_space<semaphore_mem>>
    %dma_wait3A_310 = tpu.memref_slice %arg9[%min3A_305] : memref<1000000xf32, #tpu.memory_space<vmem_shared>> -> memref<8192xf32, #tpu.memory_space<vmem_shared>>
    tpu.wait_dma2 semaphore(%dma_wait3A_309 : memref<!tpu.dma_semaphore, #tpu.memory_space<semaphore_mem>>) src(%arg8 : memref<8192xf32, #tpu.memory_space<vmem>>) dst(%dma_wait3A_310 : memref<8192xf32, #tpu.memory_space<vmem_shared>>)
    %mul3A_311 = arith.constant 62504 : i32
    %mul3A_312 = arith.muli %arg1, %mul3A_311 : i32
    %add3A_313 = arith.constant 57344 : i32
    %add3A_314 = arith.addi %mul3A_312, %add3A_313 : i32
    %min3A_315 = arith.constant 994840 : i32
    %min3A_316 = arith.minsi %add3A_314, %min3A_315 : i32
    %dma_start3A_317 = arith.constant 3 : i32
    %dma_start3A_318 = arith.constant 0 : i32
    %dma_start3A_319 = tpu.memref_slice %arg8[%dma_start3A_318] : memref<8192xf32, #tpu.memory_space<vmem>> -> memref<5160xf32, #tpu.memory_space<vmem>>
    %dma_start3A_320 = tpu.memref_slice %arg3[%min3A_316] : memref<1000000xf32, #tpu.memory_space<hbm>> -> memref<5160xf32, #tpu.memory_space<hbm>>
    %dma_start3A_321 = tpu.memref_slice %arg12[%dma_start3A_317] : memref<4x!tpu.dma_semaphore, #tpu.memory_space<semaphore_mem>> -> memref<1x!tpu.dma_semaphore, #tpu.memory_space<semaphore_mem>>
    %dma_start3A_322 = tpu.memref_squeeze %dma_start3A_321 : memref<1x!tpu.dma_semaphore, #tpu.memory_space<semaphore_mem>> -> memref<!tpu.dma_semaphore, #tpu.memory_space<semaphore_mem>>
    %dma_start3A_323 = arith.constant 0 : i32
    %dma_start3A_324 = tpu.memref_slice %arg8[%dma_start3A_323] : memref<8192xf32, #tpu.memory_space<vmem>> -> memref<5160xf32, #tpu.memory_space<vmem>>
    %dma_start3A_325 = tpu.memref_slice %arg3[%min3A_316] : memref<1000000xf32, #tpu.memory_space<hbm>> -> memref<5160xf32, #tpu.memory_space<hbm>>
    tpu.enqueue_dma source(%dma_start3A_325 : memref<5160xf32, #tpu.memory_space<hbm>>) target(%dma_start3A_324 : memref<5160xf32, #tpu.memory_space<vmem>>) target_semaphore(%dma_start3A_322 : memref<!tpu.dma_semaphore, #tpu.memory_space<semaphore_mem>>)
    %mul3A_326 = arith.constant 62504 : i32
    %mul3A_327 = arith.muli %arg1, %mul3A_326 : i32
    %add3A_328 = arith.constant 49152 : i32
    %add3A_329 = arith.addi %mul3A_327, %add3A_328 : i32
    %min3A_330 = arith.constant 991808 : i32
    %min3A_331 = arith.minsi %add3A_329, %min3A_330 : i32
    %dma_wait3A_332 = arith.constant 2 : i32
    %dma_wait3A_333 = tpu.memref_slice %arg3[%min3A_331] : memref<1000000xf32, #tpu.memory_space<hbm>> -> memref<8192xf32, #tpu.memory_space<hbm>>
    %dma_wait3A_334 = tpu.memref_slice %arg12[%dma_wait3A_332] : memref<4x!tpu.dma_semaphore, #tpu.memory_space<semaphore_mem>> -> memref<1x!tpu.dma_semaphore, #tpu.memory_space<semaphore_mem>>
    %dma_wait3A_335 = tpu.memref_squeeze %dma_wait3A_334 : memref<1x!tpu.dma_semaphore, #tpu.memory_space<semaphore_mem>> -> memref<!tpu.dma_semaphore, #tpu.memory_space<semaphore_mem>>
    %dma_wait3A_336 = tpu.memref_slice %arg3[%min3A_331] : memref<1000000xf32, #tpu.memory_space<hbm>> -> memref<8192xf32, #tpu.memory_space<hbm>>
    tpu.wait_dma2 semaphore(%dma_wait3A_335 : memref<!tpu.dma_semaphore, #tpu.memory_space<semaphore_mem>>) src(%dma_wait3A_336 : memref<8192xf32, #tpu.memory_space<hbm>>) dst(%arg7 : memref<8192xf32, #tpu.memory_space<vmem>>)
    %mul3A_337 = arith.constant 62504 : i32
    %mul3A_338 = arith.muli %arg1, %mul3A_337 : i32
    %add3A_339 = arith.constant 49152 : i32
    %add3A_340 = arith.addi %mul3A_338, %add3A_339 : i32
    %min3A_341 = arith.constant 991808 : i32
    %min3A_342 = arith.minsi %add3A_340, %min3A_341 : i32
    %dma_start3A_343 = arith.constant 2 : i32
    %dma_start3A_344 = tpu.memref_slice %arg9[%min3A_342] : memref<1000000xf32, #tpu.memory_space<vmem_shared>> -> memref<8192xf32, #tpu.memory_space<vmem_shared>>
    %dma_start3A_345 = tpu.memref_slice %arg13[%dma_start3A_343] : memref<4x!tpu.dma_semaphore, #tpu.memory_space<semaphore_mem>> -> memref<1x!tpu.dma_semaphore, #tpu.memory_space<semaphore_mem>>
    %dma_start3A_346 = tpu.memref_squeeze %dma_start3A_345 : memref<1x!tpu.dma_semaphore, #tpu.memory_space<semaphore_mem>> -> memref<!tpu.dma_semaphore, #tpu.memory_space<semaphore_mem>>
    %dma_start3A_347 = tpu.memref_slice %arg9[%min3A_342] : memref<1000000xf32, #tpu.memory_space<vmem_shared>> -> memref<8192xf32, #tpu.memory_space<vmem_shared>>
    tpu.enqueue_dma source(%arg7 : memref<8192xf32, #tpu.memory_space<vmem>>) target(%dma_start3A_347 : memref<8192xf32, #tpu.memory_space<vmem_shared>>) target_semaphore(%dma_start3A_346 : memref<!tpu.dma_semaphore, #tpu.memory_space<semaphore_mem>>)
    %mul3A_348 = arith.constant 62504 : i32
    %mul3A_349 = arith.muli %arg1, %mul3A_348 : i32
    %add3A_350 = arith.constant 57344 : i32
    %add3A_351 = arith.addi %mul3A_349, %add3A_350 : i32
    %min3A_352 = arith.constant 994840 : i32
    %min3A_353 = arith.minsi %add3A_351, %min3A_352 : i32
    %dma_wait3A_354 = arith.constant 3 : i32
    %dma_wait3A_355 = arith.constant 0 : i32
    %dma_wait3A_356 = tpu.memref_slice %arg8[%dma_wait3A_355] : memref<8192xf32, #tpu.memory_space<vmem>> -> memref<5160xf32, #tpu.memory_space<vmem>>
    %dma_wait3A_357 = tpu.memref_slice %arg3[%min3A_353] : memref<1000000xf32, #tpu.memory_space<hbm>> -> memref<5160xf32, #tpu.memory_space<hbm>>
    %dma_wait3A_358 = tpu.memref_slice %arg12[%dma_wait3A_354] : memref<4x!tpu.dma_semaphore, #tpu.memory_space<semaphore_mem>> -> memref<1x!tpu.dma_semaphore, #tpu.memory_space<semaphore_mem>>
    %dma_wait3A_359 = tpu.memref_squeeze %dma_wait3A_358 : memref<1x!tpu.dma_semaphore, #tpu.memory_space<semaphore_mem>> -> memref<!tpu.dma_semaphore, #tpu.memory_space<semaphore_mem>>
    %dma_wait3A_360 = arith.constant 0 : i32
    %dma_wait3A_361 = tpu.memref_slice %arg8[%dma_wait3A_360] : memref<8192xf32, #tpu.memory_space<vmem>> -> memref<5160xf32, #tpu.memory_space<vmem>>
    %dma_wait3A_362 = tpu.memref_slice %arg3[%min3A_353] : memref<1000000xf32, #tpu.memory_space<hbm>> -> memref<5160xf32, #tpu.memory_space<hbm>>
    tpu.wait_dma2 semaphore(%dma_wait3A_359 : memref<!tpu.dma_semaphore, #tpu.memory_space<semaphore_mem>>) src(%dma_wait3A_362 : memref<5160xf32, #tpu.memory_space<hbm>>) dst(%dma_wait3A_361 : memref<5160xf32, #tpu.memory_space<vmem>>)
    %mul3A_363 = arith.constant 62504 : i32
    %mul3A_364 = arith.muli %arg1, %mul3A_363 : i32
    %add3A_365 = arith.constant 57344 : i32
    %add3A_366 = arith.addi %mul3A_364, %add3A_365 : i32
    %min3A_367 = arith.constant 994840 : i32
    %min3A_368 = arith.minsi %add3A_366, %min3A_367 : i32
    %dma_start3A_369 = arith.constant 3 : i32
    %dma_start3A_370 = arith.constant 0 : i32
    %dma_start3A_371 = tpu.memref_slice %arg8[%dma_start3A_370] : memref<8192xf32, #tpu.memory_space<vmem>> -> memref<5160xf32, #tpu.memory_space<vmem>>
    %dma_start3A_372 = tpu.memref_slice %arg9[%min3A_368] : memref<1000000xf32, #tpu.memory_space<vmem_shared>> -> memref<5160xf32, #tpu.memory_space<vmem_shared>>
    %dma_start3A_373 = tpu.memref_slice %arg13[%dma_start3A_369] : memref<4x!tpu.dma_semaphore, #tpu.memory_space<semaphore_mem>> -> memref<1x!tpu.dma_semaphore, #tpu.memory_space<semaphore_mem>>
    %dma_start3A_374 = tpu.memref_squeeze %dma_start3A_373 : memref<1x!tpu.dma_semaphore, #tpu.memory_space<semaphore_mem>> -> memref<!tpu.dma_semaphore, #tpu.memory_space<semaphore_mem>>
    %dma_start3A_375 = tpu.memref_slice %arg9[%min3A_368] : memref<1000000xf32, #tpu.memory_space<vmem_shared>> -> memref<5160xf32, #tpu.memory_space<vmem_shared>>
    %dma_start3A_376 = arith.constant 0 : i32
    %dma_start3A_377 = tpu.memref_slice %arg8[%dma_start3A_376] : memref<8192xf32, #tpu.memory_space<vmem>> -> memref<5160xf32, #tpu.memory_space<vmem>>
    tpu.enqueue_dma source(%dma_start3A_377 : memref<5160xf32, #tpu.memory_space<vmem>>) target(%dma_start3A_375 : memref<5160xf32, #tpu.memory_space<vmem_shared>>) target_semaphore(%dma_start3A_374 : memref<!tpu.dma_semaphore, #tpu.memory_space<semaphore_mem>>)
    %mul3A_378 = arith.constant 62504 : i32
    %mul3A_379 = arith.muli %arg1, %mul3A_378 : i32
    %add3A_380 = arith.constant 32768 : i32
    %add3A_381 = arith.addi %mul3A_379, %add3A_380 : i32
    %min3A_382 = arith.constant 991808 : i32
    %min3A_383 = arith.minsi %add3A_381, %min3A_382 : i32
    %dma_wait3A_384 = arith.constant 0 : i32
    %dma_wait3A_385 = arith.constant 0 : i32
    %dma_wait3A_386 = tpu.memref_slice %arg6[%dma_wait3A_385] : memref<25600xf32, #tpu.memory_space<vmem>> -> memref<8192xf32, #tpu.memory_space<vmem>>
    %dma_wait3A_387 = tpu.memref_slice %arg9[%min3A_383] : memref<1000000xf32, #tpu.memory_space<vmem_shared>> -> memref<8192xf32, #tpu.memory_space<vmem_shared>>
    %dma_wait3A_388 = tpu.memref_slice %arg13[%dma_wait3A_384] : memref<4x!tpu.dma_semaphore, #tpu.memory_space<semaphore_mem>> -> memref<1x!tpu.dma_semaphore, #tpu.memory_space<semaphore_mem>>
    %dma_wait3A_389 = tpu.memref_squeeze %dma_wait3A_388 : memref<1x!tpu.dma_semaphore, #tpu.memory_space<semaphore_mem>> -> memref<!tpu.dma_semaphore, #tpu.memory_space<semaphore_mem>>
    %dma_wait3A_390 = tpu.memref_slice %arg9[%min3A_383] : memref<1000000xf32, #tpu.memory_space<vmem_shared>> -> memref<8192xf32, #tpu.memory_space<vmem_shared>>
    %dma_wait3A_391 = arith.constant 0 : i32
    %dma_wait3A_392 = tpu.memref_slice %arg6[%dma_wait3A_391] : memref<25600xf32, #tpu.memory_space<vmem>> -> memref<8192xf32, #tpu.memory_space<vmem>>
    tpu.wait_dma2 semaphore(%dma_wait3A_389 : memref<!tpu.dma_semaphore, #tpu.memory_space<semaphore_mem>>) src(%dma_wait3A_392 : memref<8192xf32, #tpu.memory_space<vmem>>) dst(%dma_wait3A_390 : memref<8192xf32, #tpu.memory_space<vmem_shared>>)
    %mul3A_393 = arith.constant 62504 : i32
    %mul3A_394 = arith.muli %arg1, %mul3A_393 : i32
    %add3A_395 = arith.constant 40960 : i32
    %add3A_396 = arith.addi %mul3A_394, %add3A_395 : i32
    %min3A_397 = arith.constant 991808 : i32
    %min3A_398 = arith.minsi %add3A_396, %min3A_397 : i32
    %dma_wait3A_399 = arith.constant 1 : i32
    %dma_wait3A_400 = arith.constant 8192 : i32
    %dma_wait3A_401 = tpu.memref_slice %arg6[%dma_wait3A_400] : memref<25600xf32, #tpu.memory_space<vmem>> -> memref<8192xf32, #tpu.memory_space<vmem>>
    %dma_wait3A_402 = tpu.memref_slice %arg9[%min3A_398] : memref<1000000xf32, #tpu.memory_space<vmem_shared>> -> memref<8192xf32, #tpu.memory_space<vmem_shared>>
    %dma_wait3A_403 = tpu.memref_slice %arg13[%dma_wait3A_399] : memref<4x!tpu.dma_semaphore, #tpu.memory_space<semaphore_mem>> -> memref<1x!tpu.dma_semaphore, #tpu.memory_space<semaphore_mem>>
    %dma_wait3A_404 = tpu.memref_squeeze %dma_wait3A_403 : memref<1x!tpu.dma_semaphore, #tpu.memory_space<semaphore_mem>> -> memref<!tpu.dma_semaphore, #tpu.memory_space<semaphore_mem>>
    %dma_wait3A_405 = tpu.memref_slice %arg9[%min3A_398] : memref<1000000xf32, #tpu.memory_space<vmem_shared>> -> memref<8192xf32, #tpu.memory_space<vmem_shared>>
    %dma_wait3A_406 = arith.constant 8192 : i32
    %dma_wait3A_407 = tpu.memref_slice %arg6[%dma_wait3A_406] : memref<25600xf32, #tpu.memory_space<vmem>> -> memref<8192xf32, #tpu.memory_space<vmem>>
    tpu.wait_dma2 semaphore(%dma_wait3A_404 : memref<!tpu.dma_semaphore, #tpu.memory_space<semaphore_mem>>) src(%dma_wait3A_407 : memref<8192xf32, #tpu.memory_space<vmem>>) dst(%dma_wait3A_405 : memref<8192xf32, #tpu.memory_space<vmem_shared>>)
    %mul3A_408 = arith.constant 62504 : i32
    %mul3A_409 = arith.muli %arg1, %mul3A_408 : i32
    %add3A_410 = arith.constant 49152 : i32
    %add3A_411 = arith.addi %mul3A_409, %add3A_410 : i32
    %min3A_412 = arith.constant 991808 : i32
    %min3A_413 = arith.minsi %add3A_411, %min3A_412 : i32
    %dma_wait3A_414 = arith.constant 2 : i32
    %dma_wait3A_415 = tpu.memref_slice %arg9[%min3A_413] : memref<1000000xf32, #tpu.memory_space<vmem_shared>> -> memref<8192xf32, #tpu.memory_space<vmem_shared>>
    %dma_wait3A_416 = tpu.memref_slice %arg13[%dma_wait3A_414] : memref<4x!tpu.dma_semaphore, #tpu.memory_space<semaphore_mem>> -> memref<1x!tpu.dma_semaphore, #tpu.memory_space<semaphore_mem>>
    %dma_wait3A_417 = tpu.memref_squeeze %dma_wait3A_416 : memref<1x!tpu.dma_semaphore, #tpu.memory_space<semaphore_mem>> -> memref<!tpu.dma_semaphore, #tpu.memory_space<semaphore_mem>>
    %dma_wait3A_418 = tpu.memref_slice %arg9[%min3A_413] : memref<1000000xf32, #tpu.memory_space<vmem_shared>> -> memref<8192xf32, #tpu.memory_space<vmem_shared>>
    tpu.wait_dma2 semaphore(%dma_wait3A_417 : memref<!tpu.dma_semaphore, #tpu.memory_space<semaphore_mem>>) src(%arg7 : memref<8192xf32, #tpu.memory_space<vmem>>) dst(%dma_wait3A_418 : memref<8192xf32, #tpu.memory_space<vmem_shared>>)
    %mul3A_419 = arith.constant 62504 : i32
    %mul3A_420 = arith.muli %arg1, %mul3A_419 : i32
    %add3A_421 = arith.constant 57344 : i32
    %add3A_422 = arith.addi %mul3A_420, %add3A_421 : i32
    %min3A_423 = arith.constant 994840 : i32
    %min3A_424 = arith.minsi %add3A_422, %min3A_423 : i32
    %dma_wait3A_425 = arith.constant 3 : i32
    %dma_wait3A_426 = arith.constant 0 : i32
    %dma_wait3A_427 = tpu.memref_slice %arg8[%dma_wait3A_426] : memref<8192xf32, #tpu.memory_space<vmem>> -> memref<5160xf32, #tpu.memory_space<vmem>>
    %dma_wait3A_428 = tpu.memref_slice %arg9[%min3A_424] : memref<1000000xf32, #tpu.memory_space<vmem_shared>> -> memref<5160xf32, #tpu.memory_space<vmem_shared>>
    %dma_wait3A_429 = tpu.memref_slice %arg13[%dma_wait3A_425] : memref<4x!tpu.dma_semaphore, #tpu.memory_space<semaphore_mem>> -> memref<1x!tpu.dma_semaphore, #tpu.memory_space<semaphore_mem>>
    %dma_wait3A_430 = tpu.memref_squeeze %dma_wait3A_429 : memref<1x!tpu.dma_semaphore, #tpu.memory_space<semaphore_mem>> -> memref<!tpu.dma_semaphore, #tpu.memory_space<semaphore_mem>>
    %dma_wait3A_431 = tpu.memref_slice %arg9[%min3A_424] : memref<1000000xf32, #tpu.memory_space<vmem_shared>> -> memref<5160xf32, #tpu.memory_space<vmem_shared>>
    %dma_wait3A_432 = arith.constant 0 : i32
    %dma_wait3A_433 = tpu.memref_slice %arg8[%dma_wait3A_432] : memref<8192xf32, #tpu.memory_space<vmem>> -> memref<5160xf32, #tpu.memory_space<vmem>>
    tpu.wait_dma2 semaphore(%dma_wait3A_430 : memref<!tpu.dma_semaphore, #tpu.memory_space<semaphore_mem>>) src(%dma_wait3A_433 : memref<5160xf32, #tpu.memory_space<vmem>>) dst(%dma_wait3A_431 : memref<5160xf32, #tpu.memory_space<vmem_shared>>)
    %barrier3A = arith.constant 0 : index
    tpu.barrier barrier_id(%barrier3A)
    %dma_wait3A_434 = tpu.memref_slice %arg2[%mul3A_2] : memref<819200xi32, #tpu.memory_space<hbm>> -> memref<25600xi32, #tpu.memory_space<hbm>>
    %dma_wait3A_435 = tpu.memref_slice %arg2[%mul3A_2] : memref<819200xi32, #tpu.memory_space<hbm>> -> memref<25600xi32, #tpu.memory_space<hbm>>
    tpu.wait_dma2 semaphore(%arg11 : memref<!tpu.dma_semaphore, #tpu.memory_space<semaphore_mem>>) src(%dma_wait3A_435 : memref<25600xi32, #tpu.memory_space<hbm>>) dst(%arg5 : memref<25600xi32, #tpu.memory_space<vmem>>)
    %dma_start3A_436 = arith.constant 0 : i32
    %dma_start3A_437 = arith.constant 0 : i32
    %dma_start3A_438 = tpu.memref_slice %arg6[%dma_start3A_437] : memref<25600xf32, #tpu.memory_space<vmem>> -> memref<6400xf32, #tpu.memory_space<vmem>>
    %dma_start3A_439 = arith.constant 0 : i32
    %dma_start3A_440 = tpu.memref_slice %arg5[%dma_start3A_439] : memref<25600xi32, #tpu.memory_space<vmem>> -> memref<6400xi32, #tpu.memory_space<vmem>>
    %dma_start3A_441 = arith.constant 0 : i32
    %dma_start3A_442 = tpu.memref_slice %arg9[%dma_start3A_441] : memref<1000000xf32, #tpu.memory_space<vmem_shared>> -> memref<1000000xf32, #tpu.memory_space<vmem_shared>>
    %dma_start3A_443 = tpu.memref_slice %arg14[%dma_start3A_436] : memref<4x!tpu.dma_semaphore, #tpu.memory_space<semaphore_mem>> -> memref<1x!tpu.dma_semaphore, #tpu.memory_space<semaphore_mem>>
    %dma_start3A_444 = tpu.memref_squeeze %dma_start3A_443 : memref<1x!tpu.dma_semaphore, #tpu.memory_space<semaphore_mem>> -> memref<!tpu.dma_semaphore, #tpu.memory_space<semaphore_mem>>
    tpu.enqueue_indirect_dma source(%dma_start3A_442 : memref<1000000xf32, #tpu.memory_space<vmem_shared>>) target(%dma_start3A_438 : memref<6400xf32, #tpu.memory_space<vmem>>) offsets(%dma_start3A_440 : memref<6400xi32, #tpu.memory_space<vmem>>) semaphore(%dma_start3A_444 : memref<!tpu.dma_semaphore, #tpu.memory_space<semaphore_mem>>)
    %dma_start3A_445 = arith.constant 1 : i32
    %dma_start3A_446 = arith.constant 6400 : i32
    %dma_start3A_447 = tpu.memref_slice %arg6[%dma_start3A_446] : memref<25600xf32, #tpu.memory_space<vmem>> -> memref<6400xf32, #tpu.memory_space<vmem>>
    %dma_start3A_448 = arith.constant 6400 : i32
    %dma_start3A_449 = tpu.memref_slice %arg5[%dma_start3A_448] : memref<25600xi32, #tpu.memory_space<vmem>> -> memref<6400xi32, #tpu.memory_space<vmem>>
    %dma_start3A_450 = arith.constant 0 : i32
    %dma_start3A_451 = tpu.memref_slice %arg9[%dma_start3A_450] : memref<1000000xf32, #tpu.memory_space<vmem_shared>> -> memref<1000000xf32, #tpu.memory_space<vmem_shared>>
    %dma_start3A_452 = tpu.memref_slice %arg14[%dma_start3A_445] : memref<4x!tpu.dma_semaphore, #tpu.memory_space<semaphore_mem>> -> memref<1x!tpu.dma_semaphore, #tpu.memory_space<semaphore_mem>>
    %dma_start3A_453 = tpu.memref_squeeze %dma_start3A_452 : memref<1x!tpu.dma_semaphore, #tpu.memory_space<semaphore_mem>> -> memref<!tpu.dma_semaphore, #tpu.memory_space<semaphore_mem>>
    tpu.enqueue_indirect_dma source(%dma_start3A_451 : memref<1000000xf32, #tpu.memory_space<vmem_shared>>) target(%dma_start3A_447 : memref<6400xf32, #tpu.memory_space<vmem>>) offsets(%dma_start3A_449 : memref<6400xi32, #tpu.memory_space<vmem>>) semaphore(%dma_start3A_453 : memref<!tpu.dma_semaphore, #tpu.memory_space<semaphore_mem>>)
    %dma_start3A_454 = arith.constant 2 : i32
    %dma_start3A_455 = arith.constant 12800 : i32
    %dma_start3A_456 = tpu.memref_slice %arg6[%dma_start3A_455] : memref<25600xf32, #tpu.memory_space<vmem>> -> memref<6400xf32, #tpu.memory_space<vmem>>
    %dma_start3A_457 = arith.constant 12800 : i32
    %dma_start3A_458 = tpu.memref_slice %arg5[%dma_start3A_457] : memref<25600xi32, #tpu.memory_space<vmem>> -> memref<6400xi32, #tpu.memory_space<vmem>>
    %dma_start3A_459 = arith.constant 0 : i32
    %dma_start3A_460 = tpu.memref_slice %arg9[%dma_start3A_459] : memref<1000000xf32, #tpu.memory_space<vmem_shared>> -> memref<1000000xf32, #tpu.memory_space<vmem_shared>>
    %dma_start3A_461 = tpu.memref_slice %arg14[%dma_start3A_454] : memref<4x!tpu.dma_semaphore, #tpu.memory_space<semaphore_mem>> -> memref<1x!tpu.dma_semaphore, #tpu.memory_space<semaphore_mem>>
    %dma_start3A_462 = tpu.memref_squeeze %dma_start3A_461 : memref<1x!tpu.dma_semaphore, #tpu.memory_space<semaphore_mem>> -> memref<!tpu.dma_semaphore, #tpu.memory_space<semaphore_mem>>
    tpu.enqueue_indirect_dma source(%dma_start3A_460 : memref<1000000xf32, #tpu.memory_space<vmem_shared>>) target(%dma_start3A_456 : memref<6400xf32, #tpu.memory_space<vmem>>) offsets(%dma_start3A_458 : memref<6400xi32, #tpu.memory_space<vmem>>) semaphore(%dma_start3A_462 : memref<!tpu.dma_semaphore, #tpu.memory_space<semaphore_mem>>)
    %dma_start3A_463 = arith.constant 3 : i32
    %dma_start3A_464 = arith.constant 19200 : i32
    %dma_start3A_465 = tpu.memref_slice %arg6[%dma_start3A_464] : memref<25600xf32, #tpu.memory_space<vmem>> -> memref<6400xf32, #tpu.memory_space<vmem>>
    %dma_start3A_466 = arith.constant 19200 : i32
    %dma_start3A_467 = tpu.memref_slice %arg5[%dma_start3A_466] : memref<25600xi32, #tpu.memory_space<vmem>> -> memref<6400xi32, #tpu.memory_space<vmem>>
    %dma_start3A_468 = arith.constant 0 : i32
    %dma_start3A_469 = tpu.memref_slice %arg9[%dma_start3A_468] : memref<1000000xf32, #tpu.memory_space<vmem_shared>> -> memref<1000000xf32, #tpu.memory_space<vmem_shared>>
    %dma_start3A_470 = tpu.memref_slice %arg14[%dma_start3A_463] : memref<4x!tpu.dma_semaphore, #tpu.memory_space<semaphore_mem>> -> memref<1x!tpu.dma_semaphore, #tpu.memory_space<semaphore_mem>>
    %dma_start3A_471 = tpu.memref_squeeze %dma_start3A_470 : memref<1x!tpu.dma_semaphore, #tpu.memory_space<semaphore_mem>> -> memref<!tpu.dma_semaphore, #tpu.memory_space<semaphore_mem>>
    tpu.enqueue_indirect_dma source(%dma_start3A_469 : memref<1000000xf32, #tpu.memory_space<vmem_shared>>) target(%dma_start3A_465 : memref<6400xf32, #tpu.memory_space<vmem>>) offsets(%dma_start3A_467 : memref<6400xi32, #tpu.memory_space<vmem>>) semaphore(%dma_start3A_471 : memref<!tpu.dma_semaphore, #tpu.memory_space<semaphore_mem>>)
    %dma_wait3A_472 = arith.constant 0 : i32
    %dma_wait3A_473 = arith.constant 0 : i32
    %dma_wait3A_474 = tpu.memref_slice %arg6[%dma_wait3A_473] : memref<25600xf32, #tpu.memory_space<vmem>> -> memref<6400xf32, #tpu.memory_space<vmem>>
    %dma_wait3A_475 = arith.constant 0 : i32
    %dma_wait3A_476 = tpu.memref_slice %arg5[%dma_wait3A_475] : memref<25600xi32, #tpu.memory_space<vmem>> -> memref<6400xi32, #tpu.memory_space<vmem>>
    %dma_wait3A_477 = arith.constant 0 : i32
    %dma_wait3A_478 = tpu.memref_slice %arg9[%dma_wait3A_477] : memref<1000000xf32, #tpu.memory_space<vmem_shared>> -> memref<1000000xf32, #tpu.memory_space<vmem_shared>>
    %dma_wait3A_479 = tpu.memref_slice %arg14[%dma_wait3A_472] : memref<4x!tpu.dma_semaphore, #tpu.memory_space<semaphore_mem>> -> memref<1x!tpu.dma_semaphore, #tpu.memory_space<semaphore_mem>>
    %dma_wait3A_480 = tpu.memref_squeeze %dma_wait3A_479 : memref<1x!tpu.dma_semaphore, #tpu.memory_space<semaphore_mem>> -> memref<!tpu.dma_semaphore, #tpu.memory_space<semaphore_mem>>
    tpu.wait_indirect_dma semaphore(%dma_wait3A_480 : memref<!tpu.dma_semaphore, #tpu.memory_space<semaphore_mem>>) src(%dma_wait3A_478 : memref<1000000xf32, #tpu.memory_space<vmem_shared>>) dst(%dma_wait3A_474 : memref<6400xf32, #tpu.memory_space<vmem>>)
    %add3A_481 = arith.constant 0 : i32
    %add3A_482 = arith.addi %mul3A_2, %add3A_481 : i32
    %dma_start3A_483 = arith.constant 0 : i32
    %dma_start3A_484 = tpu.memref_slice %arg6[%dma_start3A_483] : memref<25600xf32, #tpu.memory_space<vmem>> -> memref<6400xf32, #tpu.memory_space<vmem>>
    %dma_start3A_485 = tpu.memref_slice %arg4[%add3A_482] : memref<819200xf32, #tpu.memory_space<hbm>> -> memref<6400xf32, #tpu.memory_space<hbm>>
    %dma_start3A_486 = tpu.memref_slice %arg4[%add3A_482] : memref<819200xf32, #tpu.memory_space<hbm>> -> memref<6400xf32, #tpu.memory_space<hbm>>
    %dma_start3A_487 = arith.constant 0 : i32
    %dma_start3A_488 = tpu.memref_slice %arg6[%dma_start3A_487] : memref<25600xf32, #tpu.memory_space<vmem>> -> memref<6400xf32, #tpu.memory_space<vmem>>
    tpu.enqueue_dma source(%dma_start3A_488 : memref<6400xf32, #tpu.memory_space<vmem>>) target(%dma_start3A_486 : memref<6400xf32, #tpu.memory_space<hbm>>) target_semaphore(%arg10 : memref<!tpu.dma_semaphore, #tpu.memory_space<semaphore_mem>>)
    %dma_wait3A_489 = arith.constant 1 : i32
    %dma_wait3A_490 = arith.constant 6400 : i32
    %dma_wait3A_491 = tpu.memref_slice %arg6[%dma_wait3A_490] : memref<25600xf32, #tpu.memory_space<vmem>> -> memref<6400xf32, #tpu.memory_space<vmem>>
    %dma_wait3A_492 = arith.constant 6400 : i32
    %dma_wait3A_493 = tpu.memref_slice %arg5[%dma_wait3A_492] : memref<25600xi32, #tpu.memory_space<vmem>> -> memref<6400xi32, #tpu.memory_space<vmem>>
    %dma_wait3A_494 = arith.constant 0 : i32
    %dma_wait3A_495 = tpu.memref_slice %arg9[%dma_wait3A_494] : memref<1000000xf32, #tpu.memory_space<vmem_shared>> -> memref<1000000xf32, #tpu.memory_space<vmem_shared>>
    %dma_wait3A_496 = tpu.memref_slice %arg14[%dma_wait3A_489] : memref<4x!tpu.dma_semaphore, #tpu.memory_space<semaphore_mem>> -> memref<1x!tpu.dma_semaphore, #tpu.memory_space<semaphore_mem>>
    %dma_wait3A_497 = tpu.memref_squeeze %dma_wait3A_496 : memref<1x!tpu.dma_semaphore, #tpu.memory_space<semaphore_mem>> -> memref<!tpu.dma_semaphore, #tpu.memory_space<semaphore_mem>>
    tpu.wait_indirect_dma semaphore(%dma_wait3A_497 : memref<!tpu.dma_semaphore, #tpu.memory_space<semaphore_mem>>) src(%dma_wait3A_495 : memref<1000000xf32, #tpu.memory_space<vmem_shared>>) dst(%dma_wait3A_491 : memref<6400xf32, #tpu.memory_space<vmem>>)
    %add3A_498 = arith.constant 6400 : i32
    %add3A_499 = arith.addi %mul3A_2, %add3A_498 : i32
    %dma_start3A_500 = arith.constant 6400 : i32
    %dma_start3A_501 = tpu.memref_slice %arg6[%dma_start3A_500] : memref<25600xf32, #tpu.memory_space<vmem>> -> memref<6400xf32, #tpu.memory_space<vmem>>
    %dma_start3A_502 = tpu.memref_slice %arg4[%add3A_499] : memref<819200xf32, #tpu.memory_space<hbm>> -> memref<6400xf32, #tpu.memory_space<hbm>>
    %dma_start3A_503 = tpu.memref_slice %arg4[%add3A_499] : memref<819200xf32, #tpu.memory_space<hbm>> -> memref<6400xf32, #tpu.memory_space<hbm>>
    %dma_start3A_504 = arith.constant 6400 : i32
    %dma_start3A_505 = tpu.memref_slice %arg6[%dma_start3A_504] : memref<25600xf32, #tpu.memory_space<vmem>> -> memref<6400xf32, #tpu.memory_space<vmem>>
    tpu.enqueue_dma source(%dma_start3A_505 : memref<6400xf32, #tpu.memory_space<vmem>>) target(%dma_start3A_503 : memref<6400xf32, #tpu.memory_space<hbm>>) target_semaphore(%arg10 : memref<!tpu.dma_semaphore, #tpu.memory_space<semaphore_mem>>)
    %dma_wait3A_506 = arith.constant 2 : i32
    %dma_wait3A_507 = arith.constant 12800 : i32
    %dma_wait3A_508 = tpu.memref_slice %arg6[%dma_wait3A_507] : memref<25600xf32, #tpu.memory_space<vmem>> -> memref<6400xf32, #tpu.memory_space<vmem>>
    %dma_wait3A_509 = arith.constant 12800 : i32
    %dma_wait3A_510 = tpu.memref_slice %arg5[%dma_wait3A_509] : memref<25600xi32, #tpu.memory_space<vmem>> -> memref<6400xi32, #tpu.memory_space<vmem>>
    %dma_wait3A_511 = arith.constant 0 : i32
    %dma_wait3A_512 = tpu.memref_slice %arg9[%dma_wait3A_511] : memref<1000000xf32, #tpu.memory_space<vmem_shared>> -> memref<1000000xf32, #tpu.memory_space<vmem_shared>>
    %dma_wait3A_513 = tpu.memref_slice %arg14[%dma_wait3A_506] : memref<4x!tpu.dma_semaphore, #tpu.memory_space<semaphore_mem>> -> memref<1x!tpu.dma_semaphore, #tpu.memory_space<semaphore_mem>>
    %dma_wait3A_514 = tpu.memref_squeeze %dma_wait3A_513 : memref<1x!tpu.dma_semaphore, #tpu.memory_space<semaphore_mem>> -> memref<!tpu.dma_semaphore, #tpu.memory_space<semaphore_mem>>
    tpu.wait_indirect_dma semaphore(%dma_wait3A_514 : memref<!tpu.dma_semaphore, #tpu.memory_space<semaphore_mem>>) src(%dma_wait3A_512 : memref<1000000xf32, #tpu.memory_space<vmem_shared>>) dst(%dma_wait3A_508 : memref<6400xf32, #tpu.memory_space<vmem>>)
    %add3A_515 = arith.constant 12800 : i32
    %add3A_516 = arith.addi %mul3A_2, %add3A_515 : i32
    %dma_start3A_517 = arith.constant 12800 : i32
    %dma_start3A_518 = tpu.memref_slice %arg6[%dma_start3A_517] : memref<25600xf32, #tpu.memory_space<vmem>> -> memref<6400xf32, #tpu.memory_space<vmem>>
    %dma_start3A_519 = tpu.memref_slice %arg4[%add3A_516] : memref<819200xf32, #tpu.memory_space<hbm>> -> memref<6400xf32, #tpu.memory_space<hbm>>
    %dma_start3A_520 = tpu.memref_slice %arg4[%add3A_516] : memref<819200xf32, #tpu.memory_space<hbm>> -> memref<6400xf32, #tpu.memory_space<hbm>>
    %dma_start3A_521 = arith.constant 12800 : i32
    %dma_start3A_522 = tpu.memref_slice %arg6[%dma_start3A_521] : memref<25600xf32, #tpu.memory_space<vmem>> -> memref<6400xf32, #tpu.memory_space<vmem>>
    tpu.enqueue_dma source(%dma_start3A_522 : memref<6400xf32, #tpu.memory_space<vmem>>) target(%dma_start3A_520 : memref<6400xf32, #tpu.memory_space<hbm>>) target_semaphore(%arg10 : memref<!tpu.dma_semaphore, #tpu.memory_space<semaphore_mem>>)
    %dma_wait3A_523 = arith.constant 3 : i32
    %dma_wait3A_524 = arith.constant 19200 : i32
    %dma_wait3A_525 = tpu.memref_slice %arg6[%dma_wait3A_524] : memref<25600xf32, #tpu.memory_space<vmem>> -> memref<6400xf32, #tpu.memory_space<vmem>>
    %dma_wait3A_526 = arith.constant 19200 : i32
    %dma_wait3A_527 = tpu.memref_slice %arg5[%dma_wait3A_526] : memref<25600xi32, #tpu.memory_space<vmem>> -> memref<6400xi32, #tpu.memory_space<vmem>>
    %dma_wait3A_528 = arith.constant 0 : i32
    %dma_wait3A_529 = tpu.memref_slice %arg9[%dma_wait3A_528] : memref<1000000xf32, #tpu.memory_space<vmem_shared>> -> memref<1000000xf32, #tpu.memory_space<vmem_shared>>
    %dma_wait3A_530 = tpu.memref_slice %arg14[%dma_wait3A_523] : memref<4x!tpu.dma_semaphore, #tpu.memory_space<semaphore_mem>> -> memref<1x!tpu.dma_semaphore, #tpu.memory_space<semaphore_mem>>
    %dma_wait3A_531 = tpu.memref_squeeze %dma_wait3A_530 : memref<1x!tpu.dma_semaphore, #tpu.memory_space<semaphore_mem>> -> memref<!tpu.dma_semaphore, #tpu.memory_space<semaphore_mem>>
    tpu.wait_indirect_dma semaphore(%dma_wait3A_531 : memref<!tpu.dma_semaphore, #tpu.memory_space<semaphore_mem>>) src(%dma_wait3A_529 : memref<1000000xf32, #tpu.memory_space<vmem_shared>>) dst(%dma_wait3A_525 : memref<6400xf32, #tpu.memory_space<vmem>>)
    %add3A_532 = arith.constant 19200 : i32
    %add3A_533 = arith.addi %mul3A_2, %add3A_532 : i32
    %dma_start3A_534 = arith.constant 19200 : i32
    %dma_start3A_535 = tpu.memref_slice %arg6[%dma_start3A_534] : memref<25600xf32, #tpu.memory_space<vmem>> -> memref<6400xf32, #tpu.memory_space<vmem>>
    %dma_start3A_536 = tpu.memref_slice %arg4[%add3A_533] : memref<819200xf32, #tpu.memory_space<hbm>> -> memref<6400xf32, #tpu.memory_space<hbm>>
    %dma_start3A_537 = tpu.memref_slice %arg4[%add3A_533] : memref<819200xf32, #tpu.memory_space<hbm>> -> memref<6400xf32, #tpu.memory_space<hbm>>
    %dma_start3A_538 = arith.constant 19200 : i32
    %dma_start3A_539 = tpu.memref_slice %arg6[%dma_start3A_538] : memref<25600xf32, #tpu.memory_space<vmem>> -> memref<6400xf32, #tpu.memory_space<vmem>>
    tpu.enqueue_dma source(%dma_start3A_539 : memref<6400xf32, #tpu.memory_space<vmem>>) target(%dma_start3A_537 : memref<6400xf32, #tpu.memory_space<hbm>>) target_semaphore(%arg10 : memref<!tpu.dma_semaphore, #tpu.memory_space<semaphore_mem>>)
    %dma_wait3A_540 = arith.constant 0 : i32
    %dma_wait3A_541 = tpu.memref_slice %arg6[%dma_wait3A_540] : memref<25600xf32, #tpu.memory_space<vmem>> -> memref<6400xf32, #tpu.memory_space<vmem>>
    %dma_wait3A_542 = tpu.memref_slice %arg4[%add3A_482] : memref<819200xf32, #tpu.memory_space<hbm>> -> memref<6400xf32, #tpu.memory_space<hbm>>
    %dma_wait3A_543 = tpu.memref_slice %arg4[%add3A_482] : memref<819200xf32, #tpu.memory_space<hbm>> -> memref<6400xf32, #tpu.memory_space<hbm>>
    %dma_wait3A_544 = arith.constant 0 : i32
    %dma_wait3A_545 = tpu.memref_slice %arg6[%dma_wait3A_544] : memref<25600xf32, #tpu.memory_space<vmem>> -> memref<6400xf32, #tpu.memory_space<vmem>>
    tpu.wait_dma2 semaphore(%arg10 : memref<!tpu.dma_semaphore, #tpu.memory_space<semaphore_mem>>) src(%dma_wait3A_545 : memref<6400xf32, #tpu.memory_space<vmem>>) dst(%dma_wait3A_543 : memref<6400xf32, #tpu.memory_space<hbm>>)
    %dma_wait3A_546 = arith.constant 6400 : i32
    %dma_wait3A_547 = tpu.memref_slice %arg6[%dma_wait3A_546] : memref<25600xf32, #tpu.memory_space<vmem>> -> memref<6400xf32, #tpu.memory_space<vmem>>
    %dma_wait3A_548 = tpu.memref_slice %arg4[%add3A_499] : memref<819200xf32, #tpu.memory_space<hbm>> -> memref<6400xf32, #tpu.memory_space<hbm>>
    %dma_wait3A_549 = tpu.memref_slice %arg4[%add3A_499] : memref<819200xf32, #tpu.memory_space<hbm>> -> memref<6400xf32, #tpu.memory_space<hbm>>
    %dma_wait3A_550 = arith.constant 6400 : i32
    %dma_wait3A_551 = tpu.memref_slice %arg6[%dma_wait3A_550] : memref<25600xf32, #tpu.memory_space<vmem>> -> memref<6400xf32, #tpu.memory_space<vmem>>
    tpu.wait_dma2 semaphore(%arg10 : memref<!tpu.dma_semaphore, #tpu.memory_space<semaphore_mem>>) src(%dma_wait3A_551 : memref<6400xf32, #tpu.memory_space<vmem>>) dst(%dma_wait3A_549 : memref<6400xf32, #tpu.memory_space<hbm>>)
    %dma_wait3A_552 = arith.constant 12800 : i32
    %dma_wait3A_553 = tpu.memref_slice %arg6[%dma_wait3A_552] : memref<25600xf32, #tpu.memory_space<vmem>> -> memref<6400xf32, #tpu.memory_space<vmem>>
    %dma_wait3A_554 = tpu.memref_slice %arg4[%add3A_516] : memref<819200xf32, #tpu.memory_space<hbm>> -> memref<6400xf32, #tpu.memory_space<hbm>>
    %dma_wait3A_555 = tpu.memref_slice %arg4[%add3A_516] : memref<819200xf32, #tpu.memory_space<hbm>> -> memref<6400xf32, #tpu.memory_space<hbm>>
    %dma_wait3A_556 = arith.constant 12800 : i32
    %dma_wait3A_557 = tpu.memref_slice %arg6[%dma_wait3A_556] : memref<25600xf32, #tpu.memory_space<vmem>> -> memref<6400xf32, #tpu.memory_space<vmem>>
    tpu.wait_dma2 semaphore(%arg10 : memref<!tpu.dma_semaphore, #tpu.memory_space<semaphore_mem>>) src(%dma_wait3A_557 : memref<6400xf32, #tpu.memory_space<vmem>>) dst(%dma_wait3A_555 : memref<6400xf32, #tpu.memory_space<hbm>>)
    %dma_wait3A_558 = arith.constant 19200 : i32
    %dma_wait3A_559 = tpu.memref_slice %arg6[%dma_wait3A_558] : memref<25600xf32, #tpu.memory_space<vmem>> -> memref<6400xf32, #tpu.memory_space<vmem>>
    %dma_wait3A_560 = tpu.memref_slice %arg4[%add3A_533] : memref<819200xf32, #tpu.memory_space<hbm>> -> memref<6400xf32, #tpu.memory_space<hbm>>
    %dma_wait3A_561 = tpu.memref_slice %arg4[%add3A_533] : memref<819200xf32, #tpu.memory_space<hbm>> -> memref<6400xf32, #tpu.memory_space<hbm>>
    %dma_wait3A_562 = arith.constant 19200 : i32
    %dma_wait3A_563 = tpu.memref_slice %arg6[%dma_wait3A_562] : memref<25600xf32, #tpu.memory_space<vmem>> -> memref<6400xf32, #tpu.memory_space<vmem>>
    tpu.wait_dma2 semaphore(%arg10 : memref<!tpu.dma_semaphore, #tpu.memory_space<semaphore_mem>>) src(%dma_wait3A_563 : memref<6400xf32, #tpu.memory_space<vmem>>) dst(%dma_wait3A_561 : memref<6400xf32, #tpu.memory_space<hbm>>)
    return
  }
}

</mosaic_0001>

<sc_bundles>
// kernel: _gather_sc.3.cloned.1.call-start
scs
__scs_entry_jumppad:
0x0: {  	(pc) =	sbr.rel $0x88, $3  }
0x1: {  	(tag) =	ssettag $0x0;
	lr =	simm.s32 $0x1  }
0x2: {  	[smem:$0x3F9F] =	sst lr;
	_ =	strace $0xD0000000  }
0x3: {  	_ = 	snop  }
0x4: {  	_ = 	snop  }
0x5: {  	_ = 	snop  }
0x6: {  	_ = 	snop  }
0x7: {  	_ = 	snop  }
__scs_overlays_trampoline_lowered:
0x8: {  	[smem:$0x3FAE] =	sst s0  }
0x9: {  	[smem:$0x3FAF] =	sst s1  }
0xa: {  	[smem:$0x3FB0] =	sst s2  }
0xb: {  	[smem:$0x3FB1] =	sst s3  }
0xc: {  	[smem:$0x3FB2] =	sst s4  }
0xd: {  	[smem:$0x3FB3] =	sst s5  }
0xe: {  	[smem:$0x3FB4] =	sst s6  }
0xf: {  	[smem:$0x3FB5] =	sst s7  }
0x10: {  	[smem:$0x3FB6] =	sst s8  }
0x11: {  	[smem:$0x3FB7] =	sst s9;
	s0 =	simm.s32 @!p0 $0x0  }
0x12: {  	s1 =	sld [smem:$0x3F9D];
	s0 =	simm.s32 @p0 $0x1  }
0x13: {  	[smem:$0x3FB8] =	sst s0;
	s0 =	simm.s32 @!p1 $0x0  }
0x14: {  	s2 =	sld [smem:$0x3F9C];
	s0 =	simm.s32 @p1 $0x1  }
0x15: {  	[smem:$0x3FB9] =	sst s0;
	s0 =	simm.s32 @!p2 $0x0  }
0x16: {  	s3 =	sld [smem:$0x3FDB];
	s0 =	simm.s32 @p2 $0x1  }
0x17: {  	s4 =	simm.s32 $0x1BF5;
	[smem:$0x3FBB] =	sst s0  }
0x18: {  	s0 =	sld [smem:$0x3F9E];
	_ =	swait.ge [sflag:s4], $0x0  }
0x19: {  	s7 =	sld [smem:$0x3F9F]  }
0x1a: {  	s8 =	sadd.s32 $0xFFFFE003, lr  }
0x1b: {  	s9 =	sadd.s32 $0xFFFFFEF7, lr;
	s5 =	simm.s32 $0xFFFFFFFF;
	p2 =	slt.u32 s8, $0xFFFFF086  }
0x1c: {  	p1 =	slt.u32 s9, $0xF7A;
	s5 =	simm.s32 @!p2 $0x0  }
0x1d: {  	s5 =	simm.s32 @p1 $0x1;
	p0 =	seq.s32 s7, s2  }
0x1e: {  	s7 =	smul.u32 @!p0 $0xF7A, s2;
	p2 =	seq.s32 @!p0 s5, $0x0  }
0x1f: {  	s9 =	smul.u32 $0xF7A, s1;
	s8 =	simm.s32 @!p0 $0x1BF5;
	p2 =	por !p2, p0  }
0x20: {  	[sflag:s8] =	ssyncset.s32 @!p0 $0xFFFFF086;
	s6 =	sadd.s32 @!p0 s3, s7;
	s7 =	simm.s32 @!p0 $0x108  }
0x21: {  	s3 =	sadd.s32 s3, s9;
	s6 =	sadd.s32 @!p0 $0x88, s6;
	s7 =	simm.s32 @p2 $0x1082  }
0x22: {  	[simem:s7], [sflag:s8] =	dma.local @!p0 [hbm:s6], $0xF7A  }
0x23: {  	s9 =	sor.u32 $0xD0000000, s2;
	s6 =	simm.s32 $0x108;
	_ =	swait.ge @!p0 [sflag:s8], $0x0  }
0x24: {  	s3 =	sadd.s32 $0x88, s3;
	s6 =	simm.s32 @!p1 $0x1082;
	[sflag:s4] =	ssyncset.s32 $0xFFFFF086  }
0x25: {  	[simem:s6], [sflag:s4] =	dma.local [hbm:s3], $0xF7A  }
0x26: {  	[smem:$0x3F9F] =	sst s1;
	(tag) =	ssettag s2;
	_ =	strace s9  }
0x27: {  	s1 =	sld [smem:$0x3FAF]  }
0x28: {  	s2 =	sld [smem:$0x3FB0]  }
0x29: {  	s4 =	sld [smem:$0x3FB2]  }
0x2a: {  	p0 =	seq.s32 s5, $0x0;
	s5 =	sld [smem:$0x3FB3]  }
0x2b: {  	s6 =	sld [smem:$0x3FB4]  }
0x2c: {  	s7 =	sld [smem:$0x3FB5]  }
0x2d: {  	s3 =	simm.s32 $0x108;
	s8 =	sld [smem:$0x3FB6]  }
0x2e: {  	s3 =	simm.s32 @!p0 $0x1082;
	s9 =	sld [smem:$0x3FB7]  }
0x2f: {  	lr =	sadd.s32 s0, s3;
	s0 =	sld [smem:$0x3FAE]  }
0x30: {  	s3 =	sld [smem:$0x3FB1]  }
0x31: {  	[smem:$0x3FBA] =	sst s10  }
0x32: {  	s10 =	sld [smem:$0x3FB8];
	_ =	sdelay $0x3  }
0x33: {  	p0 =	seq.s32 s10, $0x1;
	s10 =	sld [smem:$0x3FBA];
	_ =	sdelay $0x3  }
0x34: {  	[smem:$0x3FBA] =	sst s10  }
0x35: {  	s10 =	sld [smem:$0x3FB9];
	_ =	sdelay $0x3  }
0x36: {  	p1 =	seq.s32 s10, $0x1;
	s10 =	sld [smem:$0x3FBA];
	_ =	sdelay $0x3  }
0x37: {  	[smem:$0x3FBA] =	sst s10  }
0x38: {  	s10 =	sld [smem:$0x3FBB]  }
0x39: {  	_ = 	snop;
	(pc) =	sbr.ind lr, $3  }
0x3a: {  	_ = 	snop  }
0x3b: {  	_ = 	snop  }
0x3c: {  	p2 =	seq.s32 s10, $0x1;
	s10 =	sld [smem:$0x3FBA]  }
0x3d: {  	_ =	shalt  }
0x3e: {  	_ =	shalt  }
0x3f: {  	_ =	shalt  }
0x40: {  	_ =	shalt  }
0x41: {  	_ =	shalt  }
0x42: {  	_ =	shalt  }
0x43: {  	_ =	shalt  }
0x44: {  	_ =	shalt  }
0x45: {  	_ =	shalt  }
0x46: {  	_ =	shalt  }
0x47: {  	_ =	shalt  }
0x48: {  	_ =	shalt  }
0x49: {  	_ =	shalt  }
0x4a: {  	_ =	shalt  }
0x4b: {  	_ =	shalt  }
0x4c: {  	_ =	shalt  }
0x4d: {  	_ =	shalt  }
0x4e: {  	_ =	shalt  }
0x4f: {  	_ =	shalt  }
0x50: {  	_ =	shalt  }
0x51: {  	_ =	shalt  }
0x52: {  	_ =	shalt  }
0x53: {  	_ =	shalt  }
0x54: {  	_ =	shalt  }
0x55: {  	_ =	shalt  }
0x56: {  	_ =	shalt  }
0x57: {  	_ =	shalt  }
0x58: {  	_ =	shalt  }
0x59: {  	_ =	shalt  }
0x5a: {  	_ =	shalt  }
0x5b: {  	_ =	shalt  }
0x5c: {  	_ =	shalt  }
0x5d: {  	_ =	shalt  }
0x5e: {  	_ =	shalt  }
0x5f: {  	_ =	shalt  }
0x60: {  	_ =	shalt  }
0x61: {  	_ =	shalt  }
0x62: {  	_ =	shalt  }
0x63: {  	_ =	shalt  }
0x64: {  	_ =	shalt  }
0x65: {  	_ =	shalt  }
0x66: {  	_ =	shalt  }
0x67: {  	_ =	shalt  }
0x68: {  	_ =	shalt  }
0x69: {  	_ =	shalt  }
0x6a: {  	_ =	shalt  }
0x6b: {  	_ =	shalt  }
0x6c: {  	_ =	shalt  }
0x6d: {  	_ =	shalt  }
0x6e: {  	_ =	shalt  }
0x6f: {  	_ =	shalt  }
0x70: {  	_ =	shalt  }
0x71: {  	_ =	shalt  }
0x72: {  	_ =	shalt  }
0x73: {  	_ =	shalt  }
0x74: {  	_ =	shalt  }
0x75: {  	_ =	shalt  }
0x76: {  	_ =	shalt  }
0x77: {  	_ =	shalt  }
0x78: {  	_ =	shalt  }
0x79: {  	_ =	shalt  }
0x7a: {  	_ =	shalt  }
0x7b: {  	_ =	shalt  }
0x7c: {  	_ =	shalt  }
0x7d: {  	_ =	shalt  }
0x7e: {  	_ =	shalt  }
0x7f: {  	_ =	shalt  }
0x80: {  	_ =	shalt  }
0x81: {  	_ =	shalt  }
0x82: {  	_ =	shalt  }
0x83: {  	_ =	shalt  }
0x84: {  	_ =	shalt  }
0x85: {  	_ =	shalt  }
0x86: {  	_ =	shalt  }
0x87: {  	_ =	shalt  }
.Lfunc_end0:
.L_simem_size_0:
called_computation_lowered:
.L_overlay_start_0:
0x88: {  	s2 =	sld [smem:$0x3FD9]  }
0x89: {  	s3 =	sld [smem:$0x3FFE];
	_ =	sdelay $0x1  }
0x8a: {  	s1 =	srdreg.scid  }
0x8b: {  	s0 =	sand.u32 $0x1, s1  }
0x8c: {  	s18 =	sshll.u32 s0, $0xA;
	s2 =	sadd.s32 s3, s2  }
0x8d: {  	s2 =	sadd.s32 s2, s18  }
0x8e: {  	[smem:$0x3FC6] =	sst s2  }
0x8f: {  	_ = 	snop  }
0x90: {  	s2 =	sld [smem:$0x3FC9]  }
0x91: {  	s19 =	sld [smem:$0x3FC8]  }
0x92: {  	s4 =	sld [smem:$0x3FD0];
	(tm) =	ssettm $0x1  }
0x93: {  	s5 =	sld [smem:$0x3FFB];
	_ =	sdelay $0x3  }
0x94: {  	_ =	strace s5  }
0x95: {  	s5 =	sld [smem:$0x3FFC];
	_ =	sdelay $0x3  }
0x96: {  	_ =	strace s5  }
0x97: {  	s5 =	sld [smem:$0x3FFD];
	_ =	sdelay $0x3  }
0x98: {  	_ =	strace s5  }
0x99: {  	_ =	strace $0x8FFFFFFF  }
0x9a: {  	s20 =	sld [smem:$0x3FDB];
	_ =	sdelay $0x1  }
0x9b: {  	s6 =	simm.s32 $_scs_section_size  }
0x9c: {  	s7 =	simm.s32 $_size__tile_overlayer_lowered;
	s8 =	simm.s32 $_tile_overlayer_lowered  }
0x9d: {  	s23 =	simm.s32 $0x1BFF;
	s22 =	sshll.u32 s8, $0x1;
	s5 =	sadd.s32 s6, s20  }
0x9e: {  	s9 =	simm.s32 $0x0;
	s21 =	sshll.u32 s7, $0x1;
	s7 =	sadd.s32 s22, s5  }
0x9f: {  	[timem:s9], [sflag:s23] =	dma.local [hbm:s7], s21  }
0xa0: {  	_ =	swait.ge [sflag:s23], s21  }
0xa1: {  	s6 =	ssub.s32 $0x0, s21;
	[sflag:s23] =	ssyncset.done $0x0  }
0xa2: {  	[sflag:s23] =	ssyncadd.s32 s6;
	_ =	sdelay $0x1  }
0xa3: {  	s24 =	simm.s32 $0x1B8B  }
0xa4: {  	_ =	swait.ge [sflag:s24], $0x1  }
0xa5: {  	[sflag:s24] =	ssyncset.done $0x0  }
0xa6: {  	s25 =	simm.s32 $0x1B8E;
	[sflag:s24] =	ssyncadd.s32 $0xFFFFFFFF  }
0xa7: {  	s26 =	simm.s32 $execute0_lowered;
	[smem:$0x3FD2] =	sst s25  }
0xa8: {  	s6 =	sshll.u32 s26, $0x1;
	_ =	strace $0x80000046;
	[dreg:$0x1] =	wrdreg $0xFFFFFFFF  }
0xa9: {  	s28 =	simm.s32 $_size_execute0_lowered;
	s5 =	sadd.s32 s5, s6;
	[dreg:$0x0] =	wrdreg $0x0  }
0xaa: {  	s6 =	sshll.u32 s28, $0x1;
	[dreg:$0x2] =	wrdreg s5  }
0xab: {  	[dreg:$0x3] =	wrdreg s6  }
0xac: {  	[dreg:$0x4] =	wrdreg $0xC0  }
0xad: {  	_ =	task [dreg:s9], $0x5FFFF  }
0xae: {  	[dreg:$0x1] =	wrdreg $0xFFFFFFFF  }
0xaf: {  	[dreg:$0x0] =	wrdreg $0x60  }
0xb0: {  	[dreg:$0x2] =	wrdreg s2  }
0xb1: {  	[dreg:$0x3] =	wrdreg s19  }
0xb2: {  	[dreg:$0x4] =	wrdreg s4  }
0xb3: {  	[dreg:$0x5] =	wrdreg $0x108000  }
0xb4: {  	[dreg:$0x6] =	wrdreg $0x9  }
0xb5: {  	_ =	task.clear_ibuf [dreg:s9], $0x7FFFF;
	_ =	strace $0x90000046  }
0xb6: {  	s29 =	simm.s32 $0x9;
	_ =	strace $0x80000048  }
0xb7: {  	_ =	swait.ge [sflag:s29], $0x1  }
0xb8: {  	[sflag:s29] =	ssyncadd.s32 $0xFFFFFFFF  }
0xb9: {  	_ =	strace $0x90000048  }
0xba: {  	_ =	sfence  }
0xbb: {  	s30 =	sld [smem:$0x0];
	_ =	sdelay $0x2  }
0xbc: {  	s31 =	sshll.u32 s1, $0xD;
	s1 =	sshrl.u32 s1, $0x2  }
0xbd: {  	s3 =	sand.u32 $0x4000, s31;
	s1 =	sadd.s32 s1, s30  }
0xbe: {  	s0 =	sor.u32 s3, s0;
	s1 =	sshll.u32 s1, $0x11  }
0xbf: {  	s0 =	sor.u32 s1, s0  }
0xc0: {  	s0 =	sadd.s32 $0x8F2B, s0  }
0xc1: {  	[sflag:s0] =	ssyncadd.remote.s32 $0x1  }
0xc2: {  	_ =	sfence.sel $0xFFFF  }
0xc3: {  	[dreg:$0x0] =	wrdreg $0xFFFFFFFF;
	(pc) =	sbr.abs _section_cstart, $3  }
0xc4: {  	[dreg:$0x1] =	wrdreg $0xFFFFFFFF  }
0xc5: {  	_ =	task.clear_ibuf [dreg:s9], $0x2FFFF;
	_ =	strace $0x9FFFFFFF  }
0xc6: {  	(tm) =	ssettm $0x7FFFFFFF  }
0xc7: {  	_ =	shalt  }
tec
execute0_lowered:
.L_overlay_start_1:
0x0: {  	(tag) =	ssettag $0x1  }
0x1: {  	s0 =	rddreg [dreg:$0x0]  }
0x2: {  	s1 =	rddreg [dreg:$0x1]  }
0x3: {  	s2 =	srdreg.scid;
	s4 =	rddreg [dreg:$0x2]  }
0x4: {  	s17 =	stileid.u32;
	s3 =	rddreg [dreg:$0x3]  }
0x5: {  	s29 =	simm.s32 $0x8400;
	s31 =	simm.s32 $0x3;
	s30 =	simm.s32 $0x4  }
0x6: {  	s28 =	simm.s32 $0x5;
	s5 =	sand.u32 $0x1, s2;
	s7 =	sshll.u32 s17, $0x1  }
0x7: {  	s2 =	simm.s32 $0x0;
	s6 =	sor.u32 s5, s7;
	s7 =	smul.u32 $0xF428, s17  }
0x8: {  	p0 =	por $0x0, $0x0;
	[smem:$0x7FF] =	sst s2;
	s5 =	ssub.s32 $0x2, s5  }
0x9: {  	s6 =	smul.u32 $0x6400, s6;
	_ =	strace $0x80000047;
	s8 =	sshrl.u32 s7, $0x3  }
0xa: {  	s9 =	sadd.s32 $0x2000, s7;
	s12 =	sadd.s32 $0x4000, s7;
	s13 =	sadd.s32 s7, s3  }
0xb: {  	s15 =	sadd.s32 $0x6000, s7;
	s20 =	sadd.s32 $0x8000, s7;
	s24 =	sadd.s32 $0xA000, s7  }
0xc: {  	s6 =	sshrl.u32 s6, $0x3;
	s8 =	sadd.s32 s1, s8;
	s10 =	sshrl.u32 s9, $0x3  }
0xd: {  	[dreg:$0x8] =	wrdreg s13;
	s16 =	sadd.s32 s9, s3;
	s18 =	sshrl.u32 s15, $0x3  }
0xe: {  	s21 =	sadd.s32 s12, s3;
	s22 =	sshrl.u32 s20, $0x3;
	s25 =	sadd.s32 s15, s3  }
0xf: {  	s26 =	sshrl.u32 s24, $0x3;
	s9 =	sadd.s32 s20, s3;
	[dreg:$0x6] =	wrdreg s8  }
0x10: {  	s0 =	sadd.s32 s0, s6;
	s11 =	sadd.s32 s1, s10;
	[dreg:$0xa] =	wrdreg s16  }
0x11: {  	s10 =	sshrl.u32 s12, $0x3;
	s19 =	sadd.s32 s1, s18;
	[dreg:$0xc] =	wrdreg s21  }
0x12: {  	s23 =	sadd.s32 s1, s22;
	[dreg:$0xe] =	wrdreg s25;
	s12 =	sadd.s32 $0xC000, s7  }
0x13: {  	s7 =	smin.u32 s7, $0xE4E18;
	[dreg:$0x10] =	wrdreg s9;
	s8 =	sadd.s32 s24, s3  }
0x14: {  	s6 =	sadd.s32 s4, s6;
	s18 =	sshrl.u32 s5, $0x1;
	[dreg:$0x5] =	wrdreg s0  }
0x15: {  	s25 =	simm.s32 $0xC800;
	s24 =	simm.s32 $0xE800;
	[dreg:$0x7] =	wrdreg s11  }
0x16: {  	s22 =	simm.s32 $0x8;
	s21 =	simm.s32 $0x9;
	[dreg:$0xb] =	wrdreg s19  }
0x17: {  	s9 =	simm.s32 $0x9600;
	s14 =	sadd.s32 s1, s10;
	[dreg:$0xd] =	wrdreg s23  }
0x18: {  	s11 =	sadd.s32 s1, s26;
	s13 =	sshrl.u32 s12, $0x3;
	s7 =	sadd.s32 $0xE000, s7  }
0x19: {  	[dreg:$0x12] =	wrdreg s8;
	s0 =	sadd.s32 s12, s3;
	s19 =	sadd.s32 $0x320, s6  }
0x1a: {  	s4 =	sadd.s32 $0x960, s6;
	s23 =	simm.s32 $0x7;
	s26 =	simm.s32 $0x6  }
0x1b: {  	s10 =	simm.s32 $0xAF00;
	[dreg:$0x9] =	wrdreg s14;
	s15 =	sshrl.u32 s7, $0x3  }
0x1c: {  	[dreg:$0xf] =	wrdreg s11;
	s14 =	sadd.s32 s1, s13;
	s1 =	sadd.s32 s1, s15  }
0x1d: {  	s12 =	simm.s32 $0xE;
	[dreg:$0x13] =	wrdreg s1;
	s1 =	ssub.s32 s5, s18  }
0x1e: {  	s8 =	simm.s32 $0x1;
	[dreg:$0x14] =	wrdreg s0;
	s20 =	smax.u32 s1, $0x1  }
0x1f: {  	s16 =	sadd.s32 s7, s3;
	[dreg:$0x16] =	wrdreg s19;
	p1 =	sne.s32 s20, $0x1  }
.Ltmp0:
0x20: {  	s7 =	simm.s32 $0x6400;
	s0 =	rddreg [dreg:$0x5];
	(pc) =	sbr.rel @!p1 .LBB2_1-.Ltmp0, $4  }
0x21: {  	s19 =	simm.s32 $0xA;
	s11 =	simm.s32 $0x7D00;
	[dreg:$0x11] =	wrdreg s14  }
0x22: {  	s13 =	simm.s32 $0xD;
	[dreg:$0x15] =	wrdreg s16;
	s16 =	simm.s32 $0x2  }
0x23: {  	s14 =	simm.s32 $0x1900;
	s15 =	simm.s32 $0xC;
	s5 =	sadd.s32 $0x640, s6  }
0x24: {  	s18 =	simm.s32 $0x4B00;
	s1 =	sadd.s32 $0xFFFFFFFF, s20;
	s20 =	simm.s32 $0xB  }
0x25: {  	[tilespmem:s2], [sflag:$0x2] =	stream.linear.gather [hbm4b:s0+s2], $0x6400, $0x38;
	[tilespmem:$0x1FC28] =	vst v63  }
0x26: {  	s17 =	smov.u32 s1;
	s1 =	rddreg [dreg:$0x6]  }
0x27: {  	[tilespmem:s7], [sflag:$0x3] =	stream.linear.gather [hbm4b:s1+s2], $0x2000, $0x38;
	[tilespmem:$0x1FC28] =	vst v63  }
0x28: {  	s0 =	rddreg [dreg:$0x7]  }
0x29: {  	[tilespmem:s29], [sflag:$0x4] =	stream.linear.gather [hbm4b:s0+s2], $0x2000, $0x38;
	[tilespmem:$0x1FC28] =	vst v63  }
0x2a: {  	_ =	swait.ge [sflag:s31], $0x2000  }
0x2b: {  	[sflag:s31] =	ssyncset.done $0x0  }
0x2c: {  	s0 =	rddreg [dreg:$0x8];
	[sflag:s31] =	ssyncadd.s32 $0xFFFFE000  }
0x2d: {  	[spmem:s0] =	stream.linear.scatter [tilespmem:s7], [sflag:$0x7], $0x2000, $0x38;
	[tilespmem:$0x1FC28] =	vst v63  }
0x2e: {  	s1 =	rddreg [dreg:$0x9]  }
0x2f: {  	[tilespmem:s25], [sflag:$0x5] =	stream.linear.gather [hbm4b:s1+s2], $0x2000, $0x38;
	[tilespmem:$0x1FC28] =	vst v63  }
0x30: {  	_ =	swait.ge [sflag:s30], $0x2000  }
0x31: {  	[sflag:s30] =	ssyncset.done $0x0  }
0x32: {  	s0 =	rddreg [dreg:$0xa];
	[sflag:s30] =	ssyncadd.s32 $0xFFFFE000  }
0x33: {  	[spmem:s0] =	stream.linear.scatter [tilespmem:s29], [sflag:$0x8], $0x2000, $0x38;
	[tilespmem:$0x1FC28] =	vst v63  }
0x34: {  	s1 =	rddreg [dreg:$0xb]  }
0x35: {  	[tilespmem:s24], [sflag:$0x6] =	stream.linear.gather [hbm4b:s1+s2], $0x2000, $0x38;
	[tilespmem:$0x1FC28] =	vst v63  }
0x36: {  	_ =	swait.ge [sflag:s28], $0x2000  }
0x37: {  	[sflag:s28] =	ssyncset.done $0x0  }
0x38: {  	s1 =	rddreg [dreg:$0xc];
	[sflag:s28] =	ssyncadd.s32 $0xFFFFE000  }
0x39: {  	[spmem:s1] =	stream.linear.scatter [tilespmem:s25], [sflag:$0x9], $0x2000, $0x38;
	[tilespmem:$0x1FC28] =	vst v63  }
0x3a: {  	_ =	swait.ge [sflag:s23], $0x2000  }
0x3b: {  	[sflag:s23] =	ssyncset.done $0x0  }
0x3c: {  	s1 =	rddreg [dreg:$0xd];
	[sflag:s23] =	ssyncadd.s32 $0xFFFFE000  }
0x3d: {  	[tilespmem:s7], [sflag:$0x3] =	stream.linear.gather [hbm4b:s1+s2], $0x2000, $0x38;
	[tilespmem:$0x1FC28] =	vst v63  }
0x3e: {  	_ =	swait.ge [sflag:s26], $0x2000  }
0x3f: {  	[sflag:s26] =	ssyncset.done $0x0  }
0x40: {  	s1 =	rddreg [dreg:$0xe];
	[sflag:s26] =	ssyncadd.s32 $0xFFFFE000  }
0x41: {  	[spmem:s1] =	stream.linear.scatter [tilespmem:s24], [sflag:$0xA], $0x2000, $0x38;
	[tilespmem:$0x1FC28] =	vst v63  }
0x42: {  	_ =	swait.ge [sflag:s22], $0x2000  }
0x43: {  	[sflag:s22] =	ssyncset.done $0x0  }
0x44: {  	s1 =	rddreg [dreg:$0xf];
	[sflag:s22] =	ssyncadd.s32 $0xFFFFE000  }
0x45: {  	[tilespmem:s29], [sflag:$0x4] =	stream.linear.gather [hbm4b:s1+s2], $0x2000, $0x38;
	[tilespmem:$0x1FC28] =	vst v63  }
0x46: {  	_ =	swait.ge [sflag:s31], $0x2000  }
0x47: {  	[sflag:s31] =	ssyncset.done $0x0  }
0x48: {  	s1 =	rddreg [dreg:$0x10];
	[sflag:s31] =	ssyncadd.s32 $0xFFFFE000  }
0x49: {  	[spmem:s1] =	stream.linear.scatter [tilespmem:s7], [sflag:$0x7], $0x2000, $0x38;
	[tilespmem:$0x1FC28] =	vst v63  }
0x4a: {  	_ =	swait.ge [sflag:s21], $0x2000  }
0x4b: {  	[sflag:s21] =	ssyncset.done $0x0  }
0x4c: {  	s1 =	rddreg [dreg:$0x11];
	[sflag:s21] =	ssyncadd.s32 $0xFFFFE000  }
0x4d: {  	[tilespmem:s25], [sflag:$0x5] =	stream.linear.gather [hbm4b:s1+s2], $0x2000, $0x38;
	[tilespmem:$0x1FC28] =	vst v63  }
0x4e: {  	_ =	swait.ge [sflag:s30], $0x2000  }
0x4f: {  	[sflag:s30] =	ssyncset.done $0x0  }
0x50: {  	s1 =	rddreg [dreg:$0x12];
	[sflag:s30] =	ssyncadd.s32 $0xFFFFE000  }
0x51: {  	[spmem:s1] =	stream.linear.scatter [tilespmem:s29], [sflag:$0x8], $0x2000, $0x38;
	[tilespmem:$0x1FC28] =	vst v63  }
0x52: {  	_ =	swait.ge [sflag:s19], $0x2000  }
0x53: {  	[sflag:s19] =	ssyncset.done $0x0  }
0x54: {  	s1 =	rddreg [dreg:$0x13];
	[sflag:s19] =	ssyncadd.s32 $0xFFFFE000  }
0x55: {  	[tilespmem:s24], [sflag:$0x6] =	stream.linear.gather [hbm4b:s1+s2], $0x1428, $0x38;
	[tilespmem:$0x1FC28] =	vst v63  }
0x56: {  	_ =	swait.ge [sflag:s28], $0x2000  }
0x57: {  	[sflag:s28] =	ssyncset.done $0x0  }
0x58: {  	s1 =	rddreg [dreg:$0x14];
	[sflag:s28] =	ssyncadd.s32 $0xFFFFE000  }
0x59: {  	[spmem:s1] =	stream.linear.scatter [tilespmem:s25], [sflag:$0x9], $0x2000, $0x38;
	[tilespmem:$0x1FC28] =	vst v63  }
0x5a: {  	_ =	swait.ge [sflag:s26], $0x1428  }
0x5b: {  	[sflag:s26] =	ssyncset.done $0x0  }
0x5c: {  	s1 =	rddreg [dreg:$0x15];
	[sflag:s26] =	ssyncadd.s32 $0xFFFFEBD8  }
0x5d: {  	[spmem:s1] =	stream.linear.scatter [tilespmem:s24], [sflag:$0xA], $0x1428, $0x38;
	[tilespmem:$0x1FC28] =	vst v63  }
0x5e: {  	_ =	swait.ge [sflag:s23], $0x2000  }
0x5f: {  	[sflag:s23] =	ssyncset.done $0x0  }
0x60: {  	[sflag:s23] =	ssyncadd.s32 $0xFFFFE000  }
0x61: {  	_ =	swait.ge [sflag:s22], $0x2000  }
0x62: {  	[sflag:s22] =	ssyncset.done $0x0  }
0x63: {  	[sflag:s22] =	ssyncadd.s32 $0xFFFFE000  }
0x64: {  	_ =	swait.ge [sflag:s21], $0x2000  }
0x65: {  	[sflag:s21] =	ssyncset.done $0x0  }
0x66: {  	[sflag:s21] =	ssyncadd.s32 $0xFFFFE000  }
0x67: {  	_ =	swait.ge [sflag:s19], $0x1428  }
0x68: {  	[sflag:s19] =	ssyncset.done $0x0  }
0x69: {  	[sflag:s19] =	ssyncadd.s32 $0xFFFFEBD8  }
0x6a: {  	[bflag:$0x0] =	sbarrier.arrive $0xFFFF  }
0x6b: {  	_ =	swait.ge [sflag:s16], $0x6400  }
0x6c: {  	[sflag:s16] =	ssyncset.done $0x0  }
0x6d: {  	[sflag:s16] =	ssyncadd.s32 $0xFFFF9C00  }
0x6e: {  	[tilespmem:s7], [sflag:$0xB] =	stream.indirect.gather [spmem:s3], $0x1, s2, s14, $0xb8;
	[tilespmem:$0x1FC28] =	vst v63  }
0x6f: {  	_ = 	snop  }
0x70: {  	[tilespmem:s11], [sflag:$0xC] =	stream.indirect.gather [spmem:s3], $0x1, s14, s14, $0xb8;
	[tilespmem:$0x1FC28] =	vst v63  }
0x71: {  	s1 =	simm.s32 $0x3200  }
0x72: {  	[tilespmem:s9], [sflag:$0xD] =	stream.indirect.gather [spmem:s3], $0x1, s1, s14, $0xb8;
	[tilespmem:$0x1FC28] =	vst v63  }
0x73: {  	_ = 	snop  }
0x74: {  	[tilespmem:s10], [sflag:$0xE] =	stream.indirect.gather [spmem:s3], $0x1, s18, s14, $0xb8;
	[tilespmem:$0x1FC28] =	vst v63  }
0x75: {  	_ =	swait.ge [sflag:s20], $0x1900  }
0x76: {  	[sflag:s20] =	ssyncset.done $0x0  }
0x77: {  	[sflag:s20] =	ssyncadd.s32 $0xFFFFE700  }
0x78: {  	[hbm4b:s6+s2] =	stream.linear.scatter [tilespmem:s7], [sflag:$0x1], $0x1900, $0x38;
	[tilespmem:$0x1FC28] =	vst v63  }
0x79: {  	_ =	swait.ge [sflag:s15], $0x1900  }
0x7a: {  	[sflag:s15] =	ssyncset.done $0x0  }
0x7b: {  	s1 =	rddreg [dreg:$0x16];
	[sflag:s15] =	ssyncadd.s32 $0xFFFFE700  }
0x7c: {  	[hbm4b:s1+s2] =	stream.linear.scatter [tilespmem:s11], [sflag:$0x1], $0x1900, $0x38;
	[tilespmem:$0x1FC28] =	vst v63  }
0x7d: {  	_ =	swait.ge [sflag:s13], $0x1900  }
0x7e: {  	[sflag:s13] =	ssyncset.done $0x0  }
0x7f: {  	[sflag:s13] =	ssyncadd.s32 $0xFFFFE700  }
0x80: {  	[hbm4b:s5+s2] =	stream.linear.scatter [tilespmem:s9], [sflag:$0x1], $0x1900, $0x38;
	[tilespmem:$0x1FC28] =	vst v63  }
0x81: {  	_ =	swait.ge [sflag:s12], $0x1900  }
0x82: {  	[sflag:s12] =	ssyncset.done $0x0  }
0x83: {  	[sflag:s12] =	ssyncadd.s32 $0xFFFFE700  }
0x84: {  	[hbm4b:s4+s2] =	stream.linear.scatter [tilespmem:s10], [sflag:$0x1], $0x1900, $0x38;
	[tilespmem:$0x1FC28] =	vst v63  }
0x85: {  	_ =	swait.ge [sflag:s8], $0x1900  }
0x86: {  	[sflag:s8] =	ssyncset.done $0x0  }
0x87: {  	[sflag:s8] =	ssyncadd.s32 $0xFFFFE700  }
0x88: {  	_ =	swait.ge [sflag:s8], $0x1900  }
0x89: {  	[sflag:s8] =	ssyncset.done $0x0  }
0x8a: {  	p1 =	sne.s32 s17, $0x1;
	[sflag:s8] =	ssyncadd.s32 $0xFFFFE700  }
.Ltmp1:
0x8b: {  	_ =	swait.ge [sflag:s8], $0x1900;
	(pc) =	sbr.rel @!p1 .LBB2_3-.Ltmp1, $4  }
0x8c: {  	[sflag:s8] =	ssyncset.done $0x0  }
0x8d: {  	[sflag:s8] =	ssyncadd.s32 $0xFFFFE700  }
0x8e: {  	p0 =	por $0x1, $0x1;
	_ =	swait.ge [sflag:s8], $0x1900  }
0x8f: {  	s1 =	sadd.s32 $0xFFFFFFFF, s17;
	s0 =	rddreg [dreg:$0x5];
	[sflag:s8] =	ssyncset.done $0x0  }
.LBB2_4:
0x90: {  	[sflag:s8] =	ssyncadd.s32 $0xFFFFE700  }
0x91: {  	[tilespmem:s2], [sflag:$0x2] =	stream.linear.gather [hbm4b:s0+s2], $0x6400, $0x38;
	[tilespmem:$0x1FC28] =	vst v63  }
0x92: {  	s17 =	rddreg [dreg:$0x6]  }
0x93: {  	[tilespmem:s7], [sflag:$0x3] =	stream.linear.gather [hbm4b:s17+s2], $0x2000, $0x38;
	[tilespmem:$0x1FC28] =	vst v63  }
0x94: {  	s0 =	rddreg [dreg:$0x7]  }
0x95: {  	[tilespmem:s29], [sflag:$0x4] =	stream.linear.gather [hbm4b:s0+s2], $0x2000, $0x38;
	[tilespmem:$0x1FC28] =	vst v63  }
0x96: {  	_ =	swait.ge [sflag:s31], $0x2000  }
0x97: {  	[sflag:s31] =	ssyncset.done $0x0  }
0x98: {  	s0 =	rddreg [dreg:$0x8];
	[sflag:s31] =	ssyncadd.s32 $0xFFFFE000  }
0x99: {  	[spmem:s0] =	stream.linear.scatter [tilespmem:s7], [sflag:$0x7], $0x2000, $0x38;
	[tilespmem:$0x1FC28] =	vst v63  }
0x9a: {  	s17 =	rddreg [dreg:$0x9]  }
0x9b: {  	[tilespmem:s25], [sflag:$0x5] =	stream.linear.gather [hbm4b:s17+s2], $0x2000, $0x38;
	[tilespmem:$0x1FC28] =	vst v63  }
0x9c: {  	_ =	swait.ge [sflag:s30], $0x2000  }
0x9d: {  	[sflag:s30] =	ssyncset.done $0x0  }
0x9e: {  	s0 =	rddreg [dreg:$0xa];
	[sflag:s30] =	ssyncadd.s32 $0xFFFFE000  }
0x9f: {  	[spmem:s0] =	stream.linear.scatter [tilespmem:s29], [sflag:$0x8], $0x2000, $0x38;
	[tilespmem:$0x1FC28] =	vst v63  }
0xa0: {  	s17 =	rddreg [dreg:$0xb]  }
0xa1: {  	[tilespmem:s24], [sflag:$0x6] =	stream.linear.gather [hbm4b:s17+s2], $0x2000, $0x38;
	[tilespmem:$0x1FC28] =	vst v63  }
0xa2: {  	_ =	swait.ge [sflag:s28], $0x2000  }
0xa3: {  	[sflag:s28] =	ssyncset.done $0x0  }
0xa4: {  	s17 =	rddreg [dreg:$0xc];
	[sflag:s28] =	ssyncadd.s32 $0xFFFFE000  }
0xa5: {  	[spmem:s17] =	stream.linear.scatter [tilespmem:s25], [sflag:$0x9], $0x2000, $0x38;
	[tilespmem:$0x1FC28] =	vst v63  }
0xa6: {  	_ =	swait.ge [sflag:s23], $0x2000  }
0xa7: {  	[sflag:s23] =	ssyncset.done $0x0  }
0xa8: {  	s17 =	rddreg [dreg:$0xd];
	[sflag:s23] =	ssyncadd.s32 $0xFFFFE000  }
0xa9: {  	[tilespmem:s7], [sflag:$0x3] =	stream.linear.gather [hbm4b:s17+s2], $0x2000, $0x38;
	[tilespmem:$0x1FC28] =	vst v63  }
0xaa: {  	_ =	swait.ge [sflag:s26], $0x2000  }
0xab: {  	[sflag:s26] =	ssyncset.done $0x0  }
0xac: {  	s17 =	rddreg [dreg:$0xe];
	[sflag:s26] =	ssyncadd.s32 $0xFFFFE000  }
0xad: {  	[spmem:s17] =	stream.linear.scatter [tilespmem:s24], [sflag:$0xA], $0x2000, $0x38;
	[tilespmem:$0x1FC28] =	vst v63  }
0xae: {  	_ =	swait.ge [sflag:s22], $0x2000  }
0xaf: {  	[sflag:s22] =	ssyncset.done $0x0  }
0xb0: {  	s17 =	rddreg [dreg:$0xf];
	[sflag:s22] =	ssyncadd.s32 $0xFFFFE000  }
0xb1: {  	[tilespmem:s29], [sflag:$0x4] =	stream.linear.gather [hbm4b:s17+s2], $0x2000, $0x38;
	[tilespmem:$0x1FC28] =	vst v63  }
0xb2: {  	_ =	swait.ge [sflag:s31], $0x2000  }
0xb3: {  	[sflag:s31] =	ssyncset.done $0x0  }
0xb4: {  	s17 =	rddreg [dreg:$0x10];
	[sflag:s31] =	ssyncadd.s32 $0xFFFFE000  }
0xb5: {  	[spmem:s17] =	stream.linear.scatter [tilespmem:s7], [sflag:$0x7], $0x2000, $0x38;
	[tilespmem:$0x1FC28] =	vst v63  }
0xb6: {  	_ =	swait.ge [sflag:s21], $0x2000  }
0xb7: {  	[sflag:s21] =	ssyncset.done $0x0  }
0xb8: {  	s17 =	rddreg [dreg:$0x11];
	[sflag:s21] =	ssyncadd.s32 $0xFFFFE000  }
0xb9: {  	[tilespmem:s25], [sflag:$0x5] =	stream.linear.gather [hbm4b:s17+s2], $0x2000, $0x38;
	[tilespmem:$0x1FC28] =	vst v63  }
0xba: {  	_ =	swait.ge [sflag:s30], $0x2000  }
0xbb: {  	[sflag:s30] =	ssyncset.done $0x0  }
0xbc: {  	s17 =	rddreg [dreg:$0x12];
	[sflag:s30] =	ssyncadd.s32 $0xFFFFE000  }
0xbd: {  	[spmem:s17] =	stream.linear.scatter [tilespmem:s29], [sflag:$0x8], $0x2000, $0x38;
	[tilespmem:$0x1FC28] =	vst v63  }
0xbe: {  	_ =	swait.ge [sflag:s19], $0x2000  }
0xbf: {  	[sflag:s19] =	ssyncset.done $0x0  }
0xc0: {  	s17 =	rddreg [dreg:$0x13];
	[sflag:s19] =	ssyncadd.s32 $0xFFFFE000  }
0xc1: {  	[tilespmem:s24], [sflag:$0x6] =	stream.linear.gather [hbm4b:s17+s2], $0x1428, $0x38;
	[tilespmem:$0x1FC28] =	vst v63  }
0xc2: {  	_ =	swait.ge [sflag:s28], $0x2000  }
0xc3: {  	[sflag:s28] =	ssyncset.done $0x0  }
0xc4: {  	s17 =	rddreg [dreg:$0x14];
	[sflag:s28] =	ssyncadd.s32 $0xFFFFE000  }
0xc5: {  	[spmem:s17] =	stream.linear.scatter [tilespmem:s25], [sflag:$0x9], $0x2000, $0x38;
	[tilespmem:$0x1FC28] =	vst v63  }
0xc6: {  	_ =	swait.ge [sflag:s26], $0x1428  }
0xc7: {  	[sflag:s26] =	ssyncset.done $0x0  }
0xc8: {  	s17 =	rddreg [dreg:$0x15];
	[sflag:s26] =	ssyncadd.s32 $0xFFFFEBD8  }
0xc9: {  	[spmem:s17] =	stream.linear.scatter [tilespmem:s24], [sflag:$0xA], $0x1428, $0x38;
	[tilespmem:$0x1FC28] =	vst v63  }
0xca: {  	_ =	swait.ge [sflag:s23], $0x2000  }
0xcb: {  	[sflag:s23] =	ssyncset.done $0x0  }
0xcc: {  	[sflag:s23] =	ssyncadd.s32 $0xFFFFE000  }
0xcd: {  	_ =	swait.ge [sflag:s22], $0x2000  }
0xce: {  	[sflag:s22] =	ssyncset.done $0x0  }
0xcf: {  	[sflag:s22] =	ssyncadd.s32 $0xFFFFE000  }
0xd0: {  	_ =	swait.ge [sflag:s21], $0x2000  }
0xd1: {  	[sflag:s21] =	ssyncset.done $0x0  }
0xd2: {  	[sflag:s21] =	ssyncadd.s32 $0xFFFFE000  }
0xd3: {  	_ =	swait.ge [sflag:s19], $0x1428  }
0xd4: {  	[sflag:s19] =	ssyncset.done $0x0  }
0xd5: {  	[sflag:s19] =	ssyncadd.s32 $0xFFFFEBD8  }
0xd6: {  	[bflag:$0x0] =	sbarrier.arrive $0xFFFF  }
0xd7: {  	_ =	swait.ge [sflag:s16], $0x6400  }
0xd8: {  	[sflag:s16] =	ssyncset.done $0x0  }
0xd9: {  	[sflag:s16] =	ssyncadd.s32 $0xFFFF9C00  }
0xda: {  	[tilespmem:s7], [sflag:$0xB] =	stream.indirect.gather [spmem:s3], $0x1, s2, s14, $0xb8;
	[tilespmem:$0x1FC28] =	vst v63  }
0xdb: {  	_ = 	snop  }
0xdc: {  	[tilespmem:s11], [sflag:$0xC] =	stream.indirect.gather [spmem:s3], $0x1, s14, s14, $0xb8;
	[tilespmem:$0x1FC28] =	vst v63  }
0xdd: {  	s17 =	simm.s32 $0x3200  }
0xde: {  	[tilespmem:s9], [sflag:$0xD] =	stream.indirect.gather [spmem:s3], $0x1, s17, s14, $0xb8;
	[tilespmem:$0x1FC28] =	vst v63  }
0xdf: {  	_ = 	snop  }
0xe0: {  	[tilespmem:s10], [sflag:$0xE] =	stream.indirect.gather [spmem:s3], $0x1, s18, s14, $0xb8;
	[tilespmem:$0x1FC28] =	vst v63  }
0xe1: {  	_ =	swait.ge [sflag:s20], $0x1900  }
0xe2: {  	[sflag:s20] =	ssyncset.done $0x0  }
0xe3: {  	[sflag:s20] =	ssyncadd.s32 $0xFFFFE700  }
0xe4: {  	[hbm4b:s6+s2] =	stream.linear.scatter [tilespmem:s7], [sflag:$0x1], $0x1900, $0x38;
	[tilespmem:$0x1FC28] =	vst v63  }
0xe5: {  	_ =	swait.ge [sflag:s15], $0x1900  }
0xe6: {  	[sflag:s15] =	ssyncset.done $0x0  }
0xe7: {  	s17 =	rddreg [dreg:$0x16];
	[sflag:s15] =	ssyncadd.s32 $0xFFFFE700  }
0xe8: {  	[hbm4b:s17+s2] =	stream.linear.scatter [tilespmem:s11], [sflag:$0x1], $0x1900, $0x38;
	[tilespmem:$0x1FC28] =	vst v63  }
0xe9: {  	_ =	swait.ge [sflag:s13], $0x1900  }
0xea: {  	[sflag:s13] =	ssyncset.done $0x0  }
0xeb: {  	[sflag:s13] =	ssyncadd.s32 $0xFFFFE700  }
0xec: {  	[hbm4b:s5+s2] =	stream.linear.scatter [tilespmem:s9], [sflag:$0x1], $0x1900, $0x38;
	[tilespmem:$0x1FC28] =	vst v63  }
0xed: {  	_ =	swait.ge [sflag:s12], $0x1900  }
0xee: {  	[sflag:s12] =	ssyncset.done $0x0  }
0xef: {  	[sflag:s12] =	ssyncadd.s32 $0xFFFFE700  }
0xf0: {  	[hbm4b:s4+s2] =	stream.linear.scatter [tilespmem:s10], [sflag:$0x1], $0x1900, $0x38;
	[tilespmem:$0x1FC28] =	vst v63  }
0xf1: {  	_ =	swait.ge [sflag:s8], $0x1900  }
0xf2: {  	[sflag:s8] =	ssyncset.done $0x0  }
0xf3: {  	[sflag:s8] =	ssyncadd.s32 $0xFFFFE700  }
0xf4: {  	_ =	swait.ge [sflag:s8], $0x1900  }
0xf5: {  	[sflag:s8] =	ssyncset.done $0x0  }
0xf6: {  	p1 =	sne.s32 s1, $0x1;
	[sflag:s8] =	ssyncadd.s32 $0xFFFFE700  }
.Ltmp2:
0xf7: {  	_ =	swait.ge [sflag:s8], $0x1900;
	(pc) =	sbr.rel @p1 .LBB2_4-.Ltmp2, $4  }
0xf8: {  	[sflag:s8] =	ssyncset.done $0x0  }
0xf9: {  	[sflag:s8] =	ssyncadd.s32 $0xFFFFE700  }
0xfa: {  	_ =	swait.ge [sflag:s8], $0x1900  }
0xfb: {  	s1 =	sadd.s32 $0xFFFFFFFF, s1;
	s0 =	rddreg [dreg:$0x5];
	[sflag:s8] =	ssyncset.done $0x0  }
0xfc: {  	s18 =	simm.s32 $0x3200;
	s17 =	stileid.u32  }
.LBB2_6:
0xfd: {  	[sflag:s8] =	ssyncadd.s32 @p0 $0xFFFFE700  }
0xfe: {  	[tilespmem:s2], [sflag:$0x2] =	stream.linear.gather [hbm4b:s0+s2], $0x6400, $0x38;
	[tilespmem:$0x1FC28] =	vst v63  }
0xff: {  	s1 =	rddreg [dreg:$0x6]  }
0x100: {  	[tilespmem:s7], [sflag:$0x3] =	stream.linear.gather [hbm4b:s1+s2], $0x2000, $0x38;
	[tilespmem:$0x1FC28] =	vst v63  }
0x101: {  	s0 =	rddreg [dreg:$0x7]  }
0x102: {  	[tilespmem:s29], [sflag:$0x4] =	stream.linear.gather [hbm4b:s0+s2], $0x2000, $0x38;
	[tilespmem:$0x1FC28] =	vst v63  }
0x103: {  	_ =	swait.ge [sflag:s31], $0x2000  }
0x104: {  	[sflag:s31] =	ssyncset.done $0x0  }
0x105: {  	s0 =	rddreg [dreg:$0x8];
	[sflag:s31] =	ssyncadd.s32 $0xFFFFE000  }
0x106: {  	[spmem:s0] =	stream.linear.scatter [tilespmem:s7], [sflag:$0x7], $0x2000, $0x38;
	[tilespmem:$0x1FC28] =	vst v63  }
0x107: {  	s1 =	rddreg [dreg:$0x9]  }
0x108: {  	[tilespmem:s25], [sflag:$0x5] =	stream.linear.gather [hbm4b:s1+s2], $0x2000, $0x38;
	[tilespmem:$0x1FC28] =	vst v63  }
0x109: {  	_ =	swait.ge [sflag:s30], $0x2000  }
0x10a: {  	[sflag:s30] =	ssyncset.done $0x0  }
0x10b: {  	s0 =	rddreg [dreg:$0xa];
	[sflag:s30] =	ssyncadd.s32 $0xFFFFE000  }
0x10c: {  	[spmem:s0] =	stream.linear.scatter [tilespmem:s29], [sflag:$0x8], $0x2000, $0x38;
	[tilespmem:$0x1FC28] =	vst v63  }
0x10d: {  	s1 =	rddreg [dreg:$0xb]  }
0x10e: {  	[tilespmem:s24], [sflag:$0x6] =	stream.linear.gather [hbm4b:s1+s2], $0x2000, $0x38;
	[tilespmem:$0x1FC28] =	vst v63  }
0x10f: {  	_ =	swait.ge [sflag:s28], $0x2000  }
0x110: {  	[sflag:s28] =	ssyncset.done $0x0  }
0x111: {  	s1 =	rddreg [dreg:$0xc];
	[sflag:s28] =	ssyncadd.s32 $0xFFFFE000  }
0x112: {  	[spmem:s1] =	stream.linear.scatter [tilespmem:s25], [sflag:$0x9], $0x2000, $0x38;
	[tilespmem:$0x1FC28] =	vst v63  }
0x113: {  	_ =	swait.ge [sflag:s23], $0x2000  }
0x114: {  	[sflag:s23] =	ssyncset.done $0x0  }
0x115: {  	s1 =	rddreg [dreg:$0xd];
	[sflag:s23] =	ssyncadd.s32 $0xFFFFE000  }
0x116: {  	[tilespmem:s7], [sflag:$0x3] =	stream.linear.gather [hbm4b:s1+s2], $0x2000, $0x38;
	[tilespmem:$0x1FC28] =	vst v63  }
0x117: {  	_ =	swait.ge [sflag:s26], $0x2000  }
0x118: {  	[sflag:s26] =	ssyncset.done $0x0  }
0x119: {  	s1 =	rddreg [dreg:$0xe];
	[sflag:s26] =	ssyncadd.s32 $0xFFFFE000  }
0x11a: {  	[spmem:s1] =	stream.linear.scatter [tilespmem:s24], [sflag:$0xA], $0x2000, $0x38;
	[tilespmem:$0x1FC28] =	vst v63  }
0x11b: {  	_ =	swait.ge [sflag:s22], $0x2000  }
0x11c: {  	[sflag:s22] =	ssyncset.done $0x0  }
0x11d: {  	s1 =	rddreg [dreg:$0xf];
	[sflag:s22] =	ssyncadd.s32 $0xFFFFE000  }
0x11e: {  	[tilespmem:s29], [sflag:$0x4] =	stream.linear.gather [hbm4b:s1+s2], $0x2000, $0x38;
	[tilespmem:$0x1FC28] =	vst v63  }
0x11f: {  	_ =	swait.ge [sflag:s31], $0x2000  }
0x120: {  	[sflag:s31] =	ssyncset.done $0x0  }
0x121: {  	s1 =	rddreg [dreg:$0x10];
	[sflag:s31] =	ssyncadd.s32 $0xFFFFE000  }
0x122: {  	[spmem:s1] =	stream.linear.scatter [tilespmem:s7], [sflag:$0x7], $0x2000, $0x38;
	[tilespmem:$0x1FC28] =	vst v63  }
0x123: {  	_ =	swait.ge [sflag:s21], $0x2000  }
0x124: {  	[sflag:s21] =	ssyncset.done $0x0  }
0x125: {  	s31 =	rddreg [dreg:$0x11];
	[sflag:s21] =	ssyncadd.s32 $0xFFFFE000  }
0x126: {  	[tilespmem:s25], [sflag:$0x5] =	stream.linear.gather [hbm4b:s31+s2], $0x2000, $0x38;
	[tilespmem:$0x1FC28] =	vst v63  }
0x127: {  	_ =	swait.ge [sflag:s30], $0x2000  }
0x128: {  	[sflag:s30] =	ssyncset.done $0x0  }
0x129: {  	s1 =	rddreg [dreg:$0x12];
	[sflag:s30] =	ssyncadd.s32 $0xFFFFE000  }
0x12a: {  	[spmem:s1] =	stream.linear.scatter [tilespmem:s29], [sflag:$0x8], $0x2000, $0x38;
	[tilespmem:$0x1FC28] =	vst v63  }
0x12b: {  	_ =	swait.ge [sflag:s19], $0x2000  }
0x12c: {  	[sflag:s19] =	ssyncset.done $0x0  }
0x12d: {  	s31 =	rddreg [dreg:$0x13];
	[sflag:s19] =	ssyncadd.s32 $0xFFFFE000  }
0x12e: {  	[tilespmem:s24], [sflag:$0x6] =	stream.linear.gather [hbm4b:s31+s2], $0x1428, $0x38;
	[tilespmem:$0x1FC28] =	vst v63  }
0x12f: {  	_ =	swait.ge [sflag:s28], $0x2000  }
0x130: {  	[sflag:s28] =	ssyncset.done $0x0  }
0x131: {  	s1 =	rddreg [dreg:$0x14];
	[sflag:s28] =	ssyncadd.s32 $0xFFFFE000  }
0x132: {  	[spmem:s1] =	stream.linear.scatter [tilespmem:s25], [sflag:$0x9], $0x2000, $0x38;
	[tilespmem:$0x1FC28] =	vst v63  }
0x133: {  	_ =	swait.ge [sflag:s26], $0x1428  }
0x134: {  	[sflag:s26] =	ssyncset.done $0x0  }
0x135: {  	s29 =	rddreg [dreg:$0x15];
	[sflag:s26] =	ssyncadd.s32 $0xFFFFEBD8  }
0x136: {  	[spmem:s29] =	stream.linear.scatter [tilespmem:s24], [sflag:$0xA], $0x1428, $0x38;
	[tilespmem:$0x1FC28] =	vst v63  }
0x137: {  	_ =	swait.ge [sflag:s23], $0x2000  }
0x138: {  	[sflag:s23] =	ssyncset.done $0x0  }
0x139: {  	[sflag:s23] =	ssyncadd.s32 $0xFFFFE000  }
0x13a: {  	_ =	swait.ge [sflag:s22], $0x2000  }
0x13b: {  	[sflag:s22] =	ssyncset.done $0x0  }
0x13c: {  	[sflag:s22] =	ssyncadd.s32 $0xFFFFE000  }
0x13d: {  	_ =	swait.ge [sflag:s21], $0x2000  }
0x13e: {  	[sflag:s21] =	ssyncset.done $0x0  }
0x13f: {  	[sflag:s21] =	ssyncadd.s32 $0xFFFFE000  }
0x140: {  	_ =	swait.ge [sflag:s19], $0x1428  }
0x141: {  	[sflag:s19] =	ssyncset.done $0x0  }
0x142: {  	[sflag:s19] =	ssyncadd.s32 $0xFFFFEBD8  }
0x143: {  	[bflag:$0x0] =	sbarrier.arrive $0xFFFF  }
0x144: {  	_ =	swait.ge [sflag:s16], $0x6400  }
0x145: {  	[sflag:s16] =	ssyncset.done $0x0  }
0x146: {  	[sflag:s16] =	ssyncadd.s32 $0xFFFF9C00  }
0x147: {  	[tilespmem:s7], [sflag:$0xB] =	stream.indirect.gather [spmem:s3], $0x1, s2, s14, $0xb8;
	[tilespmem:$0x1FC28] =	vst v63  }
0x148: {  	_ = 	snop  }
0x149: {  	[tilespmem:s11], [sflag:$0xC] =	stream.indirect.gather [spmem:s3], $0x1, s14, s14, $0xb8;
	[tilespmem:$0x1FC28] =	vst v63  }
0x14a: {  	_ = 	snop  }
0x14b: {  	[tilespmem:s9], [sflag:$0xD] =	stream.indirect.gather [spmem:s3], $0x1, s18, s14, $0xb8;
	[tilespmem:$0x1FC28] =	vst v63  }
0x14c: {  	s30 =	simm.s32 $0x4B00  }
0x14d: {  	[tilespmem:s10], [sflag:$0xE] =	stream.indirect.gather [spmem:s3], $0x1, s30, s14, $0xb8;
	[tilespmem:$0x1FC28] =	vst v63  }
0x14e: {  	_ =	swait.ge [sflag:s20], $0x1900  }
0x14f: {  	[sflag:s20] =	ssyncset.done $0x0  }
0x150: {  	[sflag:s20] =	ssyncadd.s32 $0xFFFFE700  }
0x151: {  	[hbm4b:s6+s2] =	stream.linear.scatter [tilespmem:s7], [sflag:$0x1], $0x1900, $0x38;
	[tilespmem:$0x1FC28] =	vst v63  }
0x152: {  	_ =	swait.ge [sflag:s15], $0x1900  }
0x153: {  	[sflag:s15] =	ssyncset.done $0x0  }
0x154: {  	s31 =	rddreg [dreg:$0x16];
	[sflag:s15] =	ssyncadd.s32 $0xFFFFE700  }
0x155: {  	[hbm4b:s31+s2] =	stream.linear.scatter [tilespmem:s11], [sflag:$0x1], $0x1900, $0x38;
	[tilespmem:$0x1FC28] =	vst v63  }
0x156: {  	_ =	swait.ge [sflag:s13], $0x1900  }
0x157: {  	[sflag:s13] =	ssyncset.done $0x0  }
0x158: {  	[sflag:s13] =	ssyncadd.s32 $0xFFFFE700  }
0x159: {  	[hbm4b:s5+s2] =	stream.linear.scatter [tilespmem:s9], [sflag:$0x1], $0x1900, $0x38;
	[tilespmem:$0x1FC28] =	vst v63  }
0x15a: {  	_ =	swait.ge [sflag:s12], $0x1900  }
0x15b: {  	[sflag:s12] =	ssyncset.done $0x0  }
0x15c: {  	[sflag:s12] =	ssyncadd.s32 $0xFFFFE700  }
0x15d: {  	[hbm4b:s4+s2] =	stream.linear.scatter [tilespmem:s10], [sflag:$0x1], $0x1900, $0x38;
	[tilespmem:$0x1FC28] =	vst v63  }
0x15e: {  	_ =	swait.ge [sflag:s8], $0x1900  }
0x15f: {  	[sflag:s8] =	ssyncset.done $0x0  }
0x160: {  	[sflag:s8] =	ssyncadd.s32 $0xFFFFE700  }
0x161: {  	_ =	swait.ge [sflag:s8], $0x1900  }
0x162: {  	[sflag:s8] =	ssyncset.done $0x0  }
0x163: {  	[sflag:s8] =	ssyncadd.s32 $0xFFFFE700  }
0x164: {  	_ =	swait.ge [sflag:s8], $0x1900  }
0x165: {  	[sflag:s8] =	ssyncset.done $0x0  }
0x166: {  	[sflag:s8] =	ssyncadd.s32 $0xFFFFE700  }
0x167: {  	_ =	swait.ge [sflag:s8], $0x1900  }
0x168: {  	[sflag:s8] =	ssyncset.done $0x0  }
0x169: {  	[sflag:s8] =	ssyncadd.s32 $0xFFFFE700  }
0x16a: {  	_ =	sfence.sel $0x180000  }
0x16b: {  	[bflag:$0x0] =	sbarrier.arrive $0xFFFF  }
0x16c: {  	_ =	strace $0x90000047  }
0x16d: {  	[bflag:$0x2] =	sbarrier.arrive $0xFFFF  }
0x16e: {  	p0 =	sne.s32 s17, $0x0;
	s0 =	rddreg [dreg:$0x4]  }
0x16f: {  	s0 =	sadd.s32 @!p0 $0x100000, s0  }
0x170: {  	[sflag:s0] =	ssyncadd.tile.s32 @!p0 $0x1;
	_ =	shalt  }
.LBB2_1:
.Ltmp3:
0x171: {  	(pc) =	sbr.rel .LBB2_6-.Ltmp3, $2  }
0x172: {  	_ =	sdelay $0x2  }
0x173: {  	s18 =	simm.s32 $0x3200  }
.LBB2_3:
.Ltmp4:
0x174: {  	(pc) =	sbr.rel .LBB2_6-.Ltmp4, $2  }
0x175: {  	_ =	sdelay $0x2  }
0x176: {  	s18 =	simm.s32 $0x3200;
	s17 =	stileid.u32  }
.Lfunc_end2:
_tile_overlayer_lowered:
.L_overlay_start_2:
0x177: {  	(tag) =	ssettag $0x2  }
0x178: {  	s0 =	rddreg [dreg:$0x0];
	s2 =	stileid.u32  }
0x179: {  	s1 =	rddreg [dreg:$0x1];
	p0 =	sne.s32 s2, $0x0  }
0x17a: {  	s3 =	rddreg [dreg:$0x2];
	[bflag:$0x3] =	sbarrier.arrive $0xFFFF;
	s2 =	simm.s32 @!p0 $0x1C0F  }
0x17b: {  	[timem:s3], [sflag:s2] =	dma.local @!p0 [hbm:s0], s1  }
0x17c: {  	s0 =	simm.s32 @!p0 $0xF  }
0x17d: {  	_ =	swait.ge @!p0 [sflag:s0], s1  }
0x17e: {  	s1 =	ssub.s32 @!p0 $0x0, s1;
	[sflag:s0] =	ssyncset.done @!p0 $0x0  }
0x17f: {  	[sflag:s0] =	ssyncadd.s32 @!p0 s1  }
0x180: {  	[bflag:$0x3] =	sbarrier.arrive $0xFFFF  }
0x181: {  	_ =	shalt  }

</sc_bundles>
